<compile_context>
chip_gen: v7x
topology: tpu7x:2x2x1
jax: 0.10.2.dev20260603
libtpu: 0.0.44.dev20260713+nightly
codegen_flags: <defaults>
</compile_context>

<pallas_src>
import functools

import jax
import jax.numpy as jnp
from jax import lax
from jax.experimental import pallas as pl
from jax.experimental.pallas import tpu as pltpu
from jax.experimental.pallas import tpu_sc as plsc

N_IMG = 4
N_ANC = 20000
N_PRE = 6000
N_OUT = 1000
KPAD = 1024
THR = 0.7
L = 16


def _vgather(vec, idx):
    return lax.gather(
        vec,
        idx[:, None],
        lax.GatherDimensionNumbers(
            offset_dims=(), collapsed_slice_dims=(0,), start_index_map=(0,)
        ),
        (1,),
        mode=lax.GatherScatterMode.PROMISE_IN_BOUNDS,
    )


def _body(tabs_hbm, ix_hbm, out_hbm, tab_v, idx_v, gath_v, a_v,
          kept_v, outv, n_ref, shared):
    c = lax.axis_index("c")
    s = lax.axis_index("s")
    img_local = s // 8
    img = 2 * c + img_local
    coord = s % 8
    iota = lax.iota(jnp.int32, L)
    zero16 = jnp.zeros((L,), jnp.float32)

    pltpu.sync_copy(tabs_hbm.at[img, coord], tab_v)
    pltpu.sync_copy(ix_hbm.at[img], idx_v)

    def gath(j, carry):
        sl = pl.ds(pl.multiple_of(j * L, L), L)
        ivec = idx_v[sl]
        acc = zero16
        for t in range(L):
            ixt = ivec[t]
            ch = tab_v[pl.ds(pl.multiple_of((ixt >> 4) * L, L), L)]
            val = _vgather(ch, (ixt & (L - 1)) + 0 * iota)
            acc = jnp.where(iota == t, val, acc)
        gath_v[sl] = acc
        return carry

    lax.fori_loop(0, N_PRE // L, gath, 0)
    pltpu.sync_copy(gath_v, shared.at[img_local, coord])
    plsc.subcore_barrier()

    @pl.when(coord == 0)
    def _():
        pltpu.sync_copy(shared.at[img_local], a_v)

        def dec(j, carry):
            sl = pl.ds(pl.multiple_of(j * L, L), L)
            ay1 = a_v[0, sl]
            ax1 = a_v[1, sl]
            ay2 = a_v[2, sl]
            ax2 = a_v[3, sl]
            dy = a_v[4, sl] * 0.1
            dx = a_v[5, sl] * 0.1
            dh = a_v[6, sl] * 0.2
            dw = a_v[7, sl] * 0.2
            h = ay2 - ay1
            wd = ax2 - ax1
            cy = ay1 + 0.5 * h + dy * h
            cx = ax1 + 0.5 * wd + dx * wd
            h2 = h * jnp.exp(dh)
            w2 = wd * jnp.exp(dw)
            vy1 = cy - 0.5 * h2
            vx1 = cx - 0.5 * w2
            vy2 = vy1 + h2
            vx2 = vx1 + w2
            vy1 = jnp.minimum(jnp.maximum(vy1, 0.0), 1.0)
            vx1 = jnp.minimum(jnp.maximum(vx1, 0.0), 1.0)
            vy2 = jnp.minimum(jnp.maximum(vy2, 0.0), 1.0)
            vx2 = jnp.minimum(jnp.maximum(vx2, 0.0), 1.0)
            a_v[0, sl] = vy1
            a_v[1, sl] = vx1
            a_v[2, sl] = vy2
            a_v[3, sl] = vx2
            a_v[4, sl] = (vy2 - vy1) * (vx2 - vx1)
            return carry

        lax.fori_loop(0, N_PRE // L, dec, 0)

        def zout(j, carry):
            outv[pl.ds(pl.multiple_of(j * L, L), L)] = zero16
            return carry

        lax.fori_loop(0, (N_OUT * 4) // L, zout, 0)

        def zkept(j, carry):
            sl = pl.ds(pl.multiple_of(j * L, L), L)
            kept_v[0, sl] = zero16
            kept_v[1, sl] = zero16
            kept_v[2, sl] = zero16
            kept_v[3, sl] = zero16
            kept_v[4, sl] = zero16
            return carry

        lax.fori_loop(0, KPAD // L, zkept, 0)
        n_ref[0] = jnp.int32(0)

        def cand(i, carry):
            @pl.when(n_ref[0] < N_OUT)
            def _():
                base = pl.ds(pl.multiple_of((i >> 4) * L, L), L)
                lanev = (i & (L - 1)) + 0 * iota
                by1 = _vgather(a_v[0, base], lanev)
                bx1 = _vgather(a_v[1, base], lanev)
                by2 = _vgather(a_v[2, base], lanev)
                bx2 = _vgather(a_v[3, base], lanev)
                ba = _vgather(a_v[4, base], lanev)
                n = n_ref[0]
                nch = (n + (2 * L - 1)) >> 5

                def ibody(cc, fs):
                    f1, f2 = fs
                    base0 = pl.multiple_of(cc * 2 * L, L)
                    base1 = pl.multiple_of(cc * 2 * L + L, L)
                    k0 = pl.ds(base0, L)
                    k1 = pl.ds(base1, L)
                    a_iy1 = jnp.maximum(by1, kept_v[0, k0])
                    b_iy1 = jnp.maximum(by1, kept_v[0, k1])
                    a_ix1 = jnp.maximum(bx1, kept_v[1, k0])
                    b_ix1 = jnp.maximum(bx1, kept_v[1, k1])
                    a_iy2 = jnp.minimum(by2, kept_v[2, k0])
                    b_iy2 = jnp.minimum(by2, kept_v[2, k1])
                    a_ix2 = jnp.minimum(bx2, kept_v[3, k0])
                    b_ix2 = jnp.minimum(bx2, kept_v[3, k1])
                    a_in = jnp.maximum(a_iy2 - a_iy1, 0.0) * jnp.maximum(
                        a_ix2 - a_ix1, 0.0
                    )
                    b_in = jnp.maximum(b_iy2 - b_iy1, 0.0) * jnp.maximum(
                        b_ix2 - b_ix1, 0.0
                    )
                    a_iou = a_in / (ba + kept_v[4, k0] - a_in + 1e-8)
                    b_iou = b_in / (ba + kept_v[4, k1] - b_in + 1e-8)
                    return jnp.maximum(f1, a_iou), jnp.maximum(f2, b_iou)

                m1, m2 = lax.fori_loop(0, nch, ibody, (zero16, zero16))
                miou = jnp.maximum(m1, m2)
                for sh in (8, 4, 2, 1):
                    miou = jnp.maximum(miou, _vgather(miou, iota ^ sh))
                keep = miou[0] <= THR

                rsel = jnp.where(keep, n & (L - 1), L)
                ksl = pl.ds(pl.multiple_of((n >> 4) * L, L), L)
                m = iota == rsel
                kept_v[0, ksl] = jnp.where(m, by1, kept_v[0, ksl])
                kept_v[1, ksl] = jnp.where(m, bx1, kept_v[1, ksl])
                kept_v[2, ksl] = jnp.where(m, by2, kept_v[2, ksl])
                kept_v[3, ksl] = jnp.where(m, bx2, kept_v[3, ksl])
                kept_v[4, ksl] = jnp.where(m, ba, kept_v[4, ksl])

                n4 = n * 4
                rb = jnp.where(keep, n4 & (L - 1), 2 * L)
                osl = pl.ds(pl.multiple_of((n4 >> 4) * L, L), L)
                ov = outv[osl]
                ov = jnp.where(iota == rb, by1, ov)
                ov = jnp.where(iota == rb + 1, bx1, ov)
                ov = jnp.where(iota == rb + 2, by2, ov)
                ov = jnp.where(iota == rb + 3, bx2, ov)
                outv[osl] = ov
                n_ref[0] = jnp.where(keep, n + 1, n)

            return carry

        lax.fori_loop(0, N_PRE, cand, 0)
        pltpu.sync_copy(outv, out_hbm.at[img])


def kernel(rpn_probs, rpn_bbox, anchors):
    scores = rpn_probs[:, :, 1]
    _, ix = lax.top_k(scores, N_PRE)
    tabs = jnp.concatenate(
        [anchors.transpose(0, 2, 1), rpn_bbox.transpose(0, 2, 1)], axis=1
    )

    mesh = plsc.VectorSubcoreMesh(core_axis_name="c", subcore_axis_name="s")
    k = functools.partial(
        pl.kernel,
        out_type=jax.ShapeDtypeStruct((N_IMG, N_OUT * 4), jnp.float32),
        mesh=mesh,
        scratch_types=[
            pltpu.VMEM((N_ANC,), jnp.float32),
            pltpu.VMEM((N_PRE,), jnp.int32),
            pltpu.VMEM((N_PRE,), jnp.float32),
            pltpu.VMEM((8, N_PRE), jnp.float32),
            pltpu.VMEM((5, KPAD), jnp.float32),
            pltpu.VMEM((N_OUT * 4,), jnp.float32),
            pltpu.SMEM((1,), jnp.int32),
            pltpu.VMEM_SHARED((2, 8, N_PRE), jnp.float32),
        ],
    )(_body)
    out = k(tabs, ix)
    return out.reshape(N_IMG, N_OUT, 4)

# --- scband reference (transcript-rebuilt; emitter-appended) ---
"""Pipeline reference for scband-proposal-layer-25580825215447 (READ-ONLY COPY).

The authoritative reference and input builder live on the scoring server;
editing this copy changes nothing except your own understanding.
"""

import jax, jax.numpy as jnp
import numpy as np

PROPOSAL_COUNT = 1000
NMS_THRESHOLD = 0.7
PRE_NMS_LIMIT = 6000
RPN_BBOX_STD_DEV = np.array([0.1, 0.1, 0.2, 0.2], dtype=np.float32)


def setup_inputs(seed: int = 0) -> dict:
    key = jax.random.key(seed)
    k1, k2, k3 = jax.random.split(key, 3)
    rpn_probs = jax.random.uniform(k1, (4, 20000, 2), dtype=jnp.float32)
    rpn_bbox = jax.random.normal(k2, (4, 20000, 4), dtype=jnp.float32) * 0.1
    a = jax.random.uniform(k3, (4, 20000, 4), dtype=jnp.float32)
    ymin = jnp.minimum(a[..., 0], a[..., 2])
    ymax = jnp.maximum(a[..., 0], a[..., 2]) + 1e-3
    xmin = jnp.minimum(a[..., 1], a[..., 3])
    xmax = jnp.maximum(a[..., 1], a[..., 3]) + 1e-3
    anchors = jnp.stack([ymin, xmin, ymax, xmax], axis=-1)
    return {"rpn_probs": rpn_probs, "rpn_bbox": rpn_bbox, "anchors": anchors}


def apply_box_deltas(boxes, deltas):
    height = boxes[..., 2] - boxes[..., 0]
    width = boxes[..., 3] - boxes[..., 1]
    center_y = boxes[..., 0] + 0.5 * height
    center_x = boxes[..., 1] + 0.5 * width
    center_y = center_y + deltas[..., 0] * height
    center_x = center_x + deltas[..., 1] * width
    height = height * jnp.exp(deltas[..., 2])
    width = width * jnp.exp(deltas[..., 3])
    y1 = center_y - 0.5 * height
    x1 = center_x - 0.5 * width
    y2 = y1 + height
    x2 = x1 + width
    return jnp.stack([y1, x1, y2, x2], axis=-1)


def compute_iou(box, boxes):
    y1 = jnp.maximum(box[0], boxes[:, 0])
    x1 = jnp.maximum(box[1], boxes[:, 1])
    y2 = jnp.minimum(box[2], boxes[:, 2])
    x2 = jnp.minimum(box[3], boxes[:, 3])
    inter = jnp.maximum(y2 - y1, 0.0) * jnp.maximum(x2 - x1, 0.0)
    area_box = (box[2] - box[0]) * (box[3] - box[1])
    area_boxes = (boxes[:, 2] - boxes[:, 0]) * (boxes[:, 3] - boxes[:, 1])
    union = area_box + area_boxes - inter
    return inter / (union + 1e-8)


def nms_single(boxes, scores):
    NEG = jnp.float32(-1e9)

    def step(scores_work, _):
        idx = jnp.argmax(scores_work)
        valid = scores_work[idx] > (NEG * 0.5)
        box = boxes[idx]
        ious = compute_iou(box, boxes)
        suppress = ious > NMS_THRESHOLD
        new_scores = jnp.where(suppress, NEG, scores_work)
        new_scores = new_scores.at[idx].set(NEG)
        sel = jnp.where(valid, box, jnp.zeros_like(box))
        return new_scores, sel

    _, selected = jax.lax.scan(step, scores, None, length=PROPOSAL_COUNT)
    return selected


def reference(rpn_probs, rpn_bbox, anchors):
    # fg scores
    scores = rpn_probs[:, :, 1]
    # scale deltas by bbox std dev
    deltas = rpn_bbox * jnp.asarray(RPN_BBOX_STD_DEV).reshape(1, 1, 4)
    # trim anchors by score (pre-NMS top-k per image)
    top_scores, ix = jax.lax.top_k(scores, PRE_NMS_LIMIT)
    deltas_t = jnp.take_along_axis(deltas, ix[..., None], axis=1)
    anchors_t = jnp.take_along_axis(anchors, ix[..., None], axis=1)
    # apply deltas and clip to normalized image boundaries [0, 1]
    boxes = apply_box_deltas(anchors_t, deltas_t)
    boxes = jnp.clip(boxes, 0.0, 1.0)
    # per-image NMS, padded with zeros to proposal_count
    proposals = jax.vmap(nms_single)(boxes, top_scores)
    return proposals

if __name__ == "__main__":
    import jax
    _d = setup_inputs()
    print(jax.jit(kernel)(*tuple(_d.values())))

</pallas_src>

<mosaic_0001>
#map = affine_map<(d0, d1) -> (0, 0, 0)>
#map1 = affine_map<(d0, d1) -> (0, 0)>
module attributes {stable_mosaic.version = 14 : i64} {
  func.func @_body(%arg0: i32, %arg1: i32, %arg2: memref<4x8x20000xf32, #tpu.memory_space<hbm>>, %arg3: memref<4x6000xi32, #tpu.memory_space<hbm>>, %arg4: memref<4x4000xf32, #tpu.memory_space<hbm>>, %arg5: memref<20000xf32, #tpu.memory_space<vmem>>, %arg6: memref<6000xi32, #tpu.memory_space<vmem>>, %arg7: memref<6000xf32, #tpu.memory_space<vmem>>, %arg8: memref<8x6000xf32, #tpu.memory_space<vmem>>, %arg9: memref<5x1024xf32, #tpu.memory_space<vmem>>, %arg10: memref<4000xf32, #tpu.memory_space<vmem>>, %arg11: memref<1xi32, #tpu.memory_space<smem>>, %arg12: memref<2x8x6000xf32, #tpu.memory_space<vmem_shared>>) attributes {dimension_semantics = [#tpu.dimension_semantics<core_parallel>, #tpu.dimension_semantics<subcore_parallel>], iteration_bounds = array<i64: 2, 16>, scalar_prefetch = 0 : i64, scratch_operands = 8 : i64, tpu.core_type = #tpu.core_type<sc_vector_subcore>, window_params = [{transform_indices = #map}, {transform_indices = #map1}, {transform_indices = #map1}]} {
    %jit3A = arith.constant 8 : i32
    %div3A = arith.divsi %arg1, %jit3A : i32
    %sign3A = arith.constant 0 : i32
    %sign3A_0 = arith.cmpi sgt, %arg1, %sign3A : i32
    %sign3A_1 = arith.extui %sign3A_0 : i1 to i32
    %sign3A_2 = arith.constant 0 : i32
    %sign3A_3 = arith.cmpi slt, %arg1, %sign3A_2 : i32
    %sign3A_4 = arith.extui %sign3A_3 : i1 to i32
    %sign3A_5 = arith.subi %sign3A_1, %sign3A_4 : i32
    %sign3A_6 = arith.constant 0 : i32
    %sign3A_7 = arith.cmpi sgt, %jit3A, %sign3A_6 : i32
    %sign3A_8 = arith.extui %sign3A_7 : i1 to i32
    %sign3A_9 = arith.constant 0 : i32
    %sign3A_10 = arith.cmpi slt, %jit3A, %sign3A_9 : i32
    %sign3A_11 = arith.extui %sign3A_10 : i1 to i32
    %sign3A_12 = arith.subi %sign3A_8, %sign3A_11 : i32
    %ne3A = arith.cmpi ne, %sign3A_5, %sign3A_12 : i32
    %rem3A = arith.remsi %arg1, %jit3A : i32
    %ne3A_13 = arith.constant 0 : i32
    %ne3A_14 = arith.cmpi ne, %rem3A, %ne3A_13 : i32
    %and3A = arith.andi %ne3A, %ne3A_14 : i1
    %sub3A = arith.constant 1 : i32
    %sub3A_15 = arith.subi %div3A, %sub3A : i32
    %select_n3A = arith.select %and3A, %sub3A_15, %div3A : i32
    %mul3A = arith.constant 2 : i32
    %mul3A_16 = arith.muli %mul3A, %arg0 : i32
    %add3A = arith.addi %mul3A_16, %select_n3A : i32
    %jit3A_17 = arith.constant 8 : i32
    %eq3A = arith.constant 0 : i32
    %eq3A_18 = arith.cmpi eq, %jit3A_17, %eq3A : i32
    %jit3A_19 = arith.constant 1 : i32
    %select_n3A_20 = arith.select %eq3A_18, %jit3A_19, %jit3A_17 : i32
    %rem3A_21 = arith.remsi %arg1, %select_n3A_20 : i32
    %ne3A_22 = arith.constant 0 : i32
    %ne3A_23 = arith.cmpi ne, %rem3A_21, %ne3A_22 : i32
    %lt3A = arith.constant 0 : i32
    %lt3A_24 = arith.cmpi slt, %rem3A_21, %lt3A : i32
    %lt3A_25 = arith.constant 0 : i32
    %lt3A_26 = arith.cmpi slt, %select_n3A_20, %lt3A_25 : i32
    %ne3A_27 = arith.xori %lt3A_24, %lt3A_26 : i1
    %and3A_28 = arith.andi %ne3A_27, %ne3A_23 : i1
    %add3A_29 = arith.addi %rem3A_21, %select_n3A_20 : i32
    %select_n3A_30 = arith.select %and3A_28, %add3A_29, %rem3A_21 : i32
    %iota3A = tpu.iota {dimensions = array<i32: 0>} : vector<16xi32>
    %broadcast_in_dim3A = arith.constant 0.000000e+00 : f32
    %broadcast_in_dim3A_31 = vector.broadcast %broadcast_in_dim3A : f32 to vector<16xf32>
    "tpu.region"() ({
      %run_scoped3A = tpu.sem_alloc : memref<!tpu.dma_semaphore, #tpu.memory_space<semaphore_mem>>
      %dma_start3A = arith.constant 0 : i32
      %dma_start3A_40 = tpu.memref_slice %arg2[%add3A, %select_n3A_30, %dma_start3A] : memref<4x8x20000xf32, #tpu.memory_space<hbm>> -> memref<1x1x20000xf32, #tpu.memory_space<hbm>>
      %dma_start3A_41 = tpu.memref_squeeze %dma_start3A_40 : memref<1x1x20000xf32, #tpu.memory_space<hbm>> -> memref<20000xf32, #tpu.memory_space<hbm>>
      %dma_start3A_42 = arith.constant 0 : i32
      %dma_start3A_43 = tpu.memref_slice %arg2[%add3A, %select_n3A_30, %dma_start3A_42] : memref<4x8x20000xf32, #tpu.memory_space<hbm>> -> memref<1x1x20000xf32, #tpu.memory_space<hbm>>
      %dma_start3A_44 = tpu.memref_squeeze %dma_start3A_43 : memref<1x1x20000xf32, #tpu.memory_space<hbm>> -> memref<20000xf32, #tpu.memory_space<hbm>>
      tpu.enqueue_dma source(%dma_start3A_44 : memref<20000xf32, #tpu.memory_space<hbm>>) target(%arg5 : memref<20000xf32, #tpu.memory_space<vmem>>) target_semaphore(%run_scoped3A : memref<!tpu.dma_semaphore, #tpu.memory_space<semaphore_mem>>)
      %dma_wait3A = arith.constant 0 : i32
      %dma_wait3A_45 = tpu.memref_slice %arg2[%add3A, %select_n3A_30, %dma_wait3A] : memref<4x8x20000xf32, #tpu.memory_space<hbm>> -> memref<1x1x20000xf32, #tpu.memory_space<hbm>>
      %dma_wait3A_46 = tpu.memref_squeeze %dma_wait3A_45 : memref<1x1x20000xf32, #tpu.memory_space<hbm>> -> memref<20000xf32, #tpu.memory_space<hbm>>
      %dma_wait3A_47 = arith.constant 0 : i32
      %dma_wait3A_48 = tpu.memref_slice %arg2[%add3A, %select_n3A_30, %dma_wait3A_47] : memref<4x8x20000xf32, #tpu.memory_space<hbm>> -> memref<1x1x20000xf32, #tpu.memory_space<hbm>>
      %dma_wait3A_49 = tpu.memref_squeeze %dma_wait3A_48 : memref<1x1x20000xf32, #tpu.memory_space<hbm>> -> memref<20000xf32, #tpu.memory_space<hbm>>
      tpu.wait_dma2 semaphore(%run_scoped3A : memref<!tpu.dma_semaphore, #tpu.memory_space<semaphore_mem>>) src(%dma_wait3A_49 : memref<20000xf32, #tpu.memory_space<hbm>>) dst(%arg5 : memref<20000xf32, #tpu.memory_space<vmem>>)
      tpu.yield
    }) : () -> ()
    "tpu.region"() ({
      %run_scoped3A = tpu.sem_alloc : memref<!tpu.dma_semaphore, #tpu.memory_space<semaphore_mem>>
      %dma_start3A = arith.constant 0 : i32
      %dma_start3A_40 = tpu.memref_slice %arg3[%add3A, %dma_start3A] : memref<4x6000xi32, #tpu.memory_space<hbm>> -> memref<1x6000xi32, #tpu.memory_space<hbm>>
      %dma_start3A_41 = tpu.memref_squeeze %dma_start3A_40 : memref<1x6000xi32, #tpu.memory_space<hbm>> -> memref<6000xi32, #tpu.memory_space<hbm>>
      %dma_start3A_42 = arith.constant 0 : i32
      %dma_start3A_43 = tpu.memref_slice %arg3[%add3A, %dma_start3A_42] : memref<4x6000xi32, #tpu.memory_space<hbm>> -> memref<1x6000xi32, #tpu.memory_space<hbm>>
      %dma_start3A_44 = tpu.memref_squeeze %dma_start3A_43 : memref<1x6000xi32, #tpu.memory_space<hbm>> -> memref<6000xi32, #tpu.memory_space<hbm>>
      tpu.enqueue_dma source(%dma_start3A_44 : memref<6000xi32, #tpu.memory_space<hbm>>) target(%arg6 : memref<6000xi32, #tpu.memory_space<vmem>>) target_semaphore(%run_scoped3A : memref<!tpu.dma_semaphore, #tpu.memory_space<semaphore_mem>>)
      %dma_wait3A = arith.constant 0 : i32
      %dma_wait3A_45 = tpu.memref_slice %arg3[%add3A, %dma_wait3A] : memref<4x6000xi32, #tpu.memory_space<hbm>> -> memref<1x6000xi32, #tpu.memory_space<hbm>>
      %dma_wait3A_46 = tpu.memref_squeeze %dma_wait3A_45 : memref<1x6000xi32, #tpu.memory_space<hbm>> -> memref<6000xi32, #tpu.memory_space<hbm>>
      %dma_wait3A_47 = arith.constant 0 : i32
      %dma_wait3A_48 = tpu.memref_slice %arg3[%add3A, %dma_wait3A_47] : memref<4x6000xi32, #tpu.memory_space<hbm>> -> memref<1x6000xi32, #tpu.memory_space<hbm>>
      %dma_wait3A_49 = tpu.memref_squeeze %dma_wait3A_48 : memref<1x6000xi32, #tpu.memory_space<hbm>> -> memref<6000xi32, #tpu.memory_space<hbm>>
      tpu.wait_dma2 semaphore(%run_scoped3A : memref<!tpu.dma_semaphore, #tpu.memory_space<semaphore_mem>>) src(%dma_wait3A_49 : memref<6000xi32, #tpu.memory_space<hbm>>) dst(%arg6 : memref<6000xi32, #tpu.memory_space<vmem>>)
      tpu.yield
    }) : () -> ()
    %scan3A = arith.constant 0 : i32
    %scan3A_32 = arith.constant 0 : i32
    %scan3A_33 = arith.constant 375 : i32
    %scan3A_34 = arith.addi %scan3A_32, %scan3A_33 : i32
    %scan3A_35 = arith.constant 1 : i32
    scf.for %scan3A_40 = %scan3A_32 to %scan3A_34 step %scan3A_35  : i32 {
      %mul3A_41 = arith.constant 16 : i32
      %mul3A_42 = arith.muli %scan3A_40, %mul3A_41 : i32
      %multiple_of3A = tpu.assume_multiple %mul3A_42, 16 : i32
      %get3A = arith.index_cast %multiple_of3A : i32 to index
      %get3A_43 = tpu.vector_load %arg6[%get3A] {strides = array<i32>} : memref<6000xi32, #tpu.memory_space<vmem>>, vector<16xi32>,
      %get3A_44 = vector.shape_cast %get3A_43 : vector<16xi32> to vector<16xi32>
      %slice3A = vector.extract_strided_slice %get3A_44 {offsets = [0], sizes = [1], strides = [1]} : vector<16xi32> to vector<1xi32>
      %squeeze3A = vector.extract %slice3A[0] : i32 from vector<1xi32>
      %shift_right_arithmetic3A = arith.constant 4 : i32
      %shift_right_arithmetic3A_45 = arith.shrsi %squeeze3A, %shift_right_arithmetic3A : i32
      %mul3A_46 = arith.constant 16 : i32
      %mul3A_47 = arith.muli %shift_right_arithmetic3A_45, %mul3A_46 : i32
      %multiple_of3A_48 = tpu.assume_multiple %mul3A_47, 16 : i32
      %get3A_49 = arith.index_cast %multiple_of3A_48 : i32 to index
      %get3A_50 = tpu.vector_load %arg5[%get3A_49] {strides = array<i32>} : memref<20000xf32, #tpu.memory_space<vmem>>, vector<16xf32>,
      %get3A_51 = vector.shape_cast %get3A_50 : vector<16xf32> to vector<16xf32>
      %and3A_52 = arith.constant 15 : i32
      %and3A_53 = arith.andi %squeeze3A, %and3A_52 : i32
      %mul3A_54 = arith.constant 0 : i32
      %mul3A_55 = vector.broadcast %mul3A_54 : i32 to vector<16xi32>
      %mul3A_56 = arith.muli %mul3A_55, %iota3A : vector<16xi32>
      %add3A_57 = vector.broadcast %and3A_53 : i32 to vector<16xi32>
      %add3A_58 = arith.addi %add3A_57, %mul3A_56 : vector<16xi32>
      %broadcast_in_dim3A_59 = vector.shape_cast %add3A_58 : vector<16xi32> to vector<16x1xi32>
      %gather3A = vector.shape_cast %broadcast_in_dim3A_59 : vector<16x1xi32> to vector<16xi32>
      %gather3A_60 = tpu.dynamic_gather %get3A_51[%gather3A] in [0] : vector<16xf32>, vector<16xi32> -> vector<16xf32>
      %eq3A_61 = arith.constant 0 : i32
      %eq3A_62 = vector.broadcast %eq3A_61 : i32 to vector<16xi32>
      %eq3A_63 = arith.cmpi eq, %iota3A, %eq3A_62 : vector<16xi32>
      %select_n3A_64 = arith.select %eq3A_63, %gather3A_60, %broadcast_in_dim3A_31 : vector<16xi1>, vector<16xf32>
      %slice3A_65 = vector.extract_strided_slice %get3A_44 {offsets = [1], sizes = [1], strides = [1]} : vector<16xi32> to vector<1xi32>
      %squeeze3A_66 = vector.extract %slice3A_65[0] : i32 from vector<1xi32>
      %shift_right_arithmetic3A_67 = arith.constant 4 : i32
      %shift_right_arithmetic3A_68 = arith.shrsi %squeeze3A_66, %shift_right_arithmetic3A_67 : i32
      %mul3A_69 = arith.constant 16 : i32
      %mul3A_70 = arith.muli %shift_right_arithmetic3A_68, %mul3A_69 : i32
      %multiple_of3A_71 = tpu.assume_multiple %mul3A_70, 16 : i32
      %get3A_72 = arith.index_cast %multiple_of3A_71 : i32 to index
      %get3A_73 = tpu.vector_load %arg5[%get3A_72] {strides = array<i32>} : memref<20000xf32, #tpu.memory_space<vmem>>, vector<16xf32>,
      %get3A_74 = vector.shape_cast %get3A_73 : vector<16xf32> to vector<16xf32>
      %and3A_75 = arith.constant 15 : i32
      %and3A_76 = arith.andi %squeeze3A_66, %and3A_75 : i32
      %mul3A_77 = arith.constant 0 : i32
      %mul3A_78 = vector.broadcast %mul3A_77 : i32 to vector<16xi32>
      %mul3A_79 = arith.muli %mul3A_78, %iota3A : vector<16xi32>
      %add3A_80 = vector.broadcast %and3A_76 : i32 to vector<16xi32>
      %add3A_81 = arith.addi %add3A_80, %mul3A_79 : vector<16xi32>
      %broadcast_in_dim3A_82 = vector.shape_cast %add3A_81 : vector<16xi32> to vector<16x1xi32>
      %gather3A_83 = vector.shape_cast %broadcast_in_dim3A_82 : vector<16x1xi32> to vector<16xi32>
      %gather3A_84 = tpu.dynamic_gather %get3A_74[%gather3A_83] in [0] : vector<16xf32>, vector<16xi32> -> vector<16xf32>
      %eq3A_85 = arith.constant 1 : i32
      %eq3A_86 = vector.broadcast %eq3A_85 : i32 to vector<16xi32>
      %eq3A_87 = arith.cmpi eq, %iota3A, %eq3A_86 : vector<16xi32>
      %select_n3A_88 = arith.select %eq3A_87, %gather3A_84, %select_n3A_64 : vector<16xi1>, vector<16xf32>
      %slice3A_89 = vector.extract_strided_slice %get3A_44 {offsets = [2], sizes = [1], strides = [1]} : vector<16xi32> to vector<1xi32>
      %squeeze3A_90 = vector.extract %slice3A_89[0] : i32 from vector<1xi32>
      %shift_right_arithmetic3A_91 = arith.constant 4 : i32
      %shift_right_arithmetic3A_92 = arith.shrsi %squeeze3A_90, %shift_right_arithmetic3A_91 : i32
      %mul3A_93 = arith.constant 16 : i32
      %mul3A_94 = arith.muli %shift_right_arithmetic3A_92, %mul3A_93 : i32
      %multiple_of3A_95 = tpu.assume_multiple %mul3A_94, 16 : i32
      %get3A_96 = arith.index_cast %multiple_of3A_95 : i32 to index
      %get3A_97 = tpu.vector_load %arg5[%get3A_96] {strides = array<i32>} : memref<20000xf32, #tpu.memory_space<vmem>>, vector<16xf32>,
      %get3A_98 = vector.shape_cast %get3A_97 : vector<16xf32> to vector<16xf32>
      %and3A_99 = arith.constant 15 : i32
      %and3A_100 = arith.andi %squeeze3A_90, %and3A_99 : i32
      %mul3A_101 = arith.constant 0 : i32
      %mul3A_102 = vector.broadcast %mul3A_101 : i32 to vector<16xi32>
      %mul3A_103 = arith.muli %mul3A_102, %iota3A : vector<16xi32>
      %add3A_104 = vector.broadcast %and3A_100 : i32 to vector<16xi32>
      %add3A_105 = arith.addi %add3A_104, %mul3A_103 : vector<16xi32>
      %broadcast_in_dim3A_106 = vector.shape_cast %add3A_105 : vector<16xi32> to vector<16x1xi32>
      %gather3A_107 = vector.shape_cast %broadcast_in_dim3A_106 : vector<16x1xi32> to vector<16xi32>
      %gather3A_108 = tpu.dynamic_gather %get3A_98[%gather3A_107] in [0] : vector<16xf32>, vector<16xi32> -> vector<16xf32>
      %eq3A_109 = arith.constant 2 : i32
      %eq3A_110 = vector.broadcast %eq3A_109 : i32 to vector<16xi32>
      %eq3A_111 = arith.cmpi eq, %iota3A, %eq3A_110 : vector<16xi32>
      %select_n3A_112 = arith.select %eq3A_111, %gather3A_108, %select_n3A_88 : vector<16xi1>, vector<16xf32>
      %slice3A_113 = vector.extract_strided_slice %get3A_44 {offsets = [3], sizes = [1], strides = [1]} : vector<16xi32> to vector<1xi32>
      %squeeze3A_114 = vector.extract %slice3A_113[0] : i32 from vector<1xi32>
      %shift_right_arithmetic3A_115 = arith.constant 4 : i32
      %shift_right_arithmetic3A_116 = arith.shrsi %squeeze3A_114, %shift_right_arithmetic3A_115 : i32
      %mul3A_117 = arith.constant 16 : i32
      %mul3A_118 = arith.muli %shift_right_arithmetic3A_116, %mul3A_117 : i32
      %multiple_of3A_119 = tpu.assume_multiple %mul3A_118, 16 : i32
      %get3A_120 = arith.index_cast %multiple_of3A_119 : i32 to index
      %get3A_121 = tpu.vector_load %arg5[%get3A_120] {strides = array<i32>} : memref<20000xf32, #tpu.memory_space<vmem>>, vector<16xf32>,
      %get3A_122 = vector.shape_cast %get3A_121 : vector<16xf32> to vector<16xf32>
      %and3A_123 = arith.constant 15 : i32
      %and3A_124 = arith.andi %squeeze3A_114, %and3A_123 : i32
      %mul3A_125 = arith.constant 0 : i32
      %mul3A_126 = vector.broadcast %mul3A_125 : i32 to vector<16xi32>
      %mul3A_127 = arith.muli %mul3A_126, %iota3A : vector<16xi32>
      %add3A_128 = vector.broadcast %and3A_124 : i32 to vector<16xi32>
      %add3A_129 = arith.addi %add3A_128, %mul3A_127 : vector<16xi32>
      %broadcast_in_dim3A_130 = vector.shape_cast %add3A_129 : vector<16xi32> to vector<16x1xi32>
      %gather3A_131 = vector.shape_cast %broadcast_in_dim3A_130 : vector<16x1xi32> to vector<16xi32>
      %gather3A_132 = tpu.dynamic_gather %get3A_122[%gather3A_131] in [0] : vector<16xf32>, vector<16xi32> -> vector<16xf32>
      %eq3A_133 = arith.constant 3 : i32
      %eq3A_134 = vector.broadcast %eq3A_133 : i32 to vector<16xi32>
      %eq3A_135 = arith.cmpi eq, %iota3A, %eq3A_134 : vector<16xi32>
      %select_n3A_136 = arith.select %eq3A_135, %gather3A_132, %select_n3A_112 : vector<16xi1>, vector<16xf32>
      %slice3A_137 = vector.extract_strided_slice %get3A_44 {offsets = [4], sizes = [1], strides = [1]} : vector<16xi32> to vector<1xi32>
      %squeeze3A_138 = vector.extract %slice3A_137[0] : i32 from vector<1xi32>
      %shift_right_arithmetic3A_139 = arith.constant 4 : i32
      %shift_right_arithmetic3A_140 = arith.shrsi %squeeze3A_138, %shift_right_arithmetic3A_139 : i32
      %mul3A_141 = arith.constant 16 : i32
      %mul3A_142 = arith.muli %shift_right_arithmetic3A_140, %mul3A_141 : i32
      %multiple_of3A_143 = tpu.assume_multiple %mul3A_142, 16 : i32
      %get3A_144 = arith.index_cast %multiple_of3A_143 : i32 to index
      %get3A_145 = tpu.vector_load %arg5[%get3A_144] {strides = array<i32>} : memref<20000xf32, #tpu.memory_space<vmem>>, vector<16xf32>,
      %get3A_146 = vector.shape_cast %get3A_145 : vector<16xf32> to vector<16xf32>
      %and3A_147 = arith.constant 15 : i32
      %and3A_148 = arith.andi %squeeze3A_138, %and3A_147 : i32
      %mul3A_149 = arith.constant 0 : i32
      %mul3A_150 = vector.broadcast %mul3A_149 : i32 to vector<16xi32>
      %mul3A_151 = arith.muli %mul3A_150, %iota3A : vector<16xi32>
      %add3A_152 = vector.broadcast %and3A_148 : i32 to vector<16xi32>
      %add3A_153 = arith.addi %add3A_152, %mul3A_151 : vector<16xi32>
      %broadcast_in_dim3A_154 = vector.shape_cast %add3A_153 : vector<16xi32> to vector<16x1xi32>
      %gather3A_155 = vector.shape_cast %broadcast_in_dim3A_154 : vector<16x1xi32> to vector<16xi32>
      %gather3A_156 = tpu.dynamic_gather %get3A_146[%gather3A_155] in [0] : vector<16xf32>, vector<16xi32> -> vector<16xf32>
      %eq3A_157 = arith.constant 4 : i32
      %eq3A_158 = vector.broadcast %eq3A_157 : i32 to vector<16xi32>
      %eq3A_159 = arith.cmpi eq, %iota3A, %eq3A_158 : vector<16xi32>
      %select_n3A_160 = arith.select %eq3A_159, %gather3A_156, %select_n3A_136 : vector<16xi1>, vector<16xf32>
      %slice3A_161 = vector.extract_strided_slice %get3A_44 {offsets = [5], sizes = [1], strides = [1]} : vector<16xi32> to vector<1xi32>
      %squeeze3A_162 = vector.extract %slice3A_161[0] : i32 from vector<1xi32>
      %shift_right_arithmetic3A_163 = arith.constant 4 : i32
      %shift_right_arithmetic3A_164 = arith.shrsi %squeeze3A_162, %shift_right_arithmetic3A_163 : i32
      %mul3A_165 = arith.constant 16 : i32
      %mul3A_166 = arith.muli %shift_right_arithmetic3A_164, %mul3A_165 : i32
      %multiple_of3A_167 = tpu.assume_multiple %mul3A_166, 16 : i32
      %get3A_168 = arith.index_cast %multiple_of3A_167 : i32 to index
      %get3A_169 = tpu.vector_load %arg5[%get3A_168] {strides = array<i32>} : memref<20000xf32, #tpu.memory_space<vmem>>, vector<16xf32>,
      %get3A_170 = vector.shape_cast %get3A_169 : vector<16xf32> to vector<16xf32>
      %and3A_171 = arith.constant 15 : i32
      %and3A_172 = arith.andi %squeeze3A_162, %and3A_171 : i32
      %mul3A_173 = arith.constant 0 : i32
      %mul3A_174 = vector.broadcast %mul3A_173 : i32 to vector<16xi32>
      %mul3A_175 = arith.muli %mul3A_174, %iota3A : vector<16xi32>
      %add3A_176 = vector.broadcast %and3A_172 : i32 to vector<16xi32>
      %add3A_177 = arith.addi %add3A_176, %mul3A_175 : vector<16xi32>
      %broadcast_in_dim3A_178 = vector.shape_cast %add3A_177 : vector<16xi32> to vector<16x1xi32>
      %gather3A_179 = vector.shape_cast %broadcast_in_dim3A_178 : vector<16x1xi32> to vector<16xi32>
      %gather3A_180 = tpu.dynamic_gather %get3A_170[%gather3A_179] in [0] : vector<16xf32>, vector<16xi32> -> vector<16xf32>
      %eq3A_181 = arith.constant 5 : i32
      %eq3A_182 = vector.broadcast %eq3A_181 : i32 to vector<16xi32>
      %eq3A_183 = arith.cmpi eq, %iota3A, %eq3A_182 : vector<16xi32>
      %select_n3A_184 = arith.select %eq3A_183, %gather3A_180, %select_n3A_160 : vector<16xi1>, vector<16xf32>
      %slice3A_185 = vector.extract_strided_slice %get3A_44 {offsets = [6], sizes = [1], strides = [1]} : vector<16xi32> to vector<1xi32>
      %squeeze3A_186 = vector.extract %slice3A_185[0] : i32 from vector<1xi32>
      %shift_right_arithmetic3A_187 = arith.constant 4 : i32
      %shift_right_arithmetic3A_188 = arith.shrsi %squeeze3A_186, %shift_right_arithmetic3A_187 : i32
      %mul3A_189 = arith.constant 16 : i32
      %mul3A_190 = arith.muli %shift_right_arithmetic3A_188, %mul3A_189 : i32
      %multiple_of3A_191 = tpu.assume_multiple %mul3A_190, 16 : i32
      %get3A_192 = arith.index_cast %multiple_of3A_191 : i32 to index
      %get3A_193 = tpu.vector_load %arg5[%get3A_192] {strides = array<i32>} : memref<20000xf32, #tpu.memory_space<vmem>>, vector<16xf32>,
      %get3A_194 = vector.shape_cast %get3A_193 : vector<16xf32> to vector<16xf32>
      %and3A_195 = arith.constant 15 : i32
      %and3A_196 = arith.andi %squeeze3A_186, %and3A_195 : i32
      %mul3A_197 = arith.constant 0 : i32
      %mul3A_198 = vector.broadcast %mul3A_197 : i32 to vector<16xi32>
      %mul3A_199 = arith.muli %mul3A_198, %iota3A : vector<16xi32>
      %add3A_200 = vector.broadcast %and3A_196 : i32 to vector<16xi32>
      %add3A_201 = arith.addi %add3A_200, %mul3A_199 : vector<16xi32>
      %broadcast_in_dim3A_202 = vector.shape_cast %add3A_201 : vector<16xi32> to vector<16x1xi32>
      %gather3A_203 = vector.shape_cast %broadcast_in_dim3A_202 : vector<16x1xi32> to vector<16xi32>
      %gather3A_204 = tpu.dynamic_gather %get3A_194[%gather3A_203] in [0] : vector<16xf32>, vector<16xi32> -> vector<16xf32>
      %eq3A_205 = arith.constant 6 : i32
      %eq3A_206 = vector.broadcast %eq3A_205 : i32 to vector<16xi32>
      %eq3A_207 = arith.cmpi eq, %iota3A, %eq3A_206 : vector<16xi32>
      %select_n3A_208 = arith.select %eq3A_207, %gather3A_204, %select_n3A_184 : vector<16xi1>, vector<16xf32>
      %slice3A_209 = vector.extract_strided_slice %get3A_44 {offsets = [7], sizes = [1], strides = [1]} : vector<16xi32> to vector<1xi32>
      %squeeze3A_210 = vector.extract %slice3A_209[0] : i32 from vector<1xi32>
      %shift_right_arithmetic3A_211 = arith.constant 4 : i32
      %shift_right_arithmetic3A_212 = arith.shrsi %squeeze3A_210, %shift_right_arithmetic3A_211 : i32
      %mul3A_213 = arith.constant 16 : i32
      %mul3A_214 = arith.muli %shift_right_arithmetic3A_212, %mul3A_213 : i32
      %multiple_of3A_215 = tpu.assume_multiple %mul3A_214, 16 : i32
      %get3A_216 = arith.index_cast %multiple_of3A_215 : i32 to index
      %get3A_217 = tpu.vector_load %arg5[%get3A_216] {strides = array<i32>} : memref<20000xf32, #tpu.memory_space<vmem>>, vector<16xf32>,
      %get3A_218 = vector.shape_cast %get3A_217 : vector<16xf32> to vector<16xf32>
      %and3A_219 = arith.constant 15 : i32
      %and3A_220 = arith.andi %squeeze3A_210, %and3A_219 : i32
      %mul3A_221 = arith.constant 0 : i32
      %mul3A_222 = vector.broadcast %mul3A_221 : i32 to vector<16xi32>
      %mul3A_223 = arith.muli %mul3A_222, %iota3A : vector<16xi32>
      %add3A_224 = vector.broadcast %and3A_220 : i32 to vector<16xi32>
      %add3A_225 = arith.addi %add3A_224, %mul3A_223 : vector<16xi32>
      %broadcast_in_dim3A_226 = vector.shape_cast %add3A_225 : vector<16xi32> to vector<16x1xi32>
      %gather3A_227 = vector.shape_cast %broadcast_in_dim3A_226 : vector<16x1xi32> to vector<16xi32>
      %gather3A_228 = tpu.dynamic_gather %get3A_218[%gather3A_227] in [0] : vector<16xf32>, vector<16xi32> -> vector<16xf32>
      %eq3A_229 = arith.constant 7 : i32
      %eq3A_230 = vector.broadcast %eq3A_229 : i32 to vector<16xi32>
      %eq3A_231 = arith.cmpi eq, %iota3A, %eq3A_230 : vector<16xi32>
      %select_n3A_232 = arith.select %eq3A_231, %gather3A_228, %select_n3A_208 : vector<16xi1>, vector<16xf32>
      %slice3A_233 = vector.extract_strided_slice %get3A_44 {offsets = [8], sizes = [1], strides = [1]} : vector<16xi32> to vector<1xi32>
      %squeeze3A_234 = vector.extract %slice3A_233[0] : i32 from vector<1xi32>
      %shift_right_arithmetic3A_235 = arith.constant 4 : i32
      %shift_right_arithmetic3A_236 = arith.shrsi %squeeze3A_234, %shift_right_arithmetic3A_235 : i32
      %mul3A_237 = arith.constant 16 : i32
      %mul3A_238 = arith.muli %shift_right_arithmetic3A_236, %mul3A_237 : i32
      %multiple_of3A_239 = tpu.assume_multiple %mul3A_238, 16 : i32
      %get3A_240 = arith.index_cast %multiple_of3A_239 : i32 to index
      %get3A_241 = tpu.vector_load %arg5[%get3A_240] {strides = array<i32>} : memref<20000xf32, #tpu.memory_space<vmem>>, vector<16xf32>,
      %get3A_242 = vector.shape_cast %get3A_241 : vector<16xf32> to vector<16xf32>
      %and3A_243 = arith.constant 15 : i32
      %and3A_244 = arith.andi %squeeze3A_234, %and3A_243 : i32
      %mul3A_245 = arith.constant 0 : i32
      %mul3A_246 = vector.broadcast %mul3A_245 : i32 to vector<16xi32>
      %mul3A_247 = arith.muli %mul3A_246, %iota3A : vector<16xi32>
      %add3A_248 = vector.broadcast %and3A_244 : i32 to vector<16xi32>
      %add3A_249 = arith.addi %add3A_248, %mul3A_247 : vector<16xi32>
      %broadcast_in_dim3A_250 = vector.shape_cast %add3A_249 : vector<16xi32> to vector<16x1xi32>
      %gather3A_251 = vector.shape_cast %broadcast_in_dim3A_250 : vector<16x1xi32> to vector<16xi32>
      %gather3A_252 = tpu.dynamic_gather %get3A_242[%gather3A_251] in [0] : vector<16xf32>, vector<16xi32> -> vector<16xf32>
      %eq3A_253 = arith.constant 8 : i32
      %eq3A_254 = vector.broadcast %eq3A_253 : i32 to vector<16xi32>
      %eq3A_255 = arith.cmpi eq, %iota3A, %eq3A_254 : vector<16xi32>
      %select_n3A_256 = arith.select %eq3A_255, %gather3A_252, %select_n3A_232 : vector<16xi1>, vector<16xf32>
      %slice3A_257 = vector.extract_strided_slice %get3A_44 {offsets = [9], sizes = [1], strides = [1]} : vector<16xi32> to vector<1xi32>
      %squeeze3A_258 = vector.extract %slice3A_257[0] : i32 from vector<1xi32>
      %shift_right_arithmetic3A_259 = arith.constant 4 : i32
      %shift_right_arithmetic3A_260 = arith.shrsi %squeeze3A_258, %shift_right_arithmetic3A_259 : i32
      %mul3A_261 = arith.constant 16 : i32
      %mul3A_262 = arith.muli %shift_right_arithmetic3A_260, %mul3A_261 : i32
      %multiple_of3A_263 = tpu.assume_multiple %mul3A_262, 16 : i32
      %get3A_264 = arith.index_cast %multiple_of3A_263 : i32 to index
      %get3A_265 = tpu.vector_load %arg5[%get3A_264] {strides = array<i32>} : memref<20000xf32, #tpu.memory_space<vmem>>, vector<16xf32>,
      %get3A_266 = vector.shape_cast %get3A_265 : vector<16xf32> to vector<16xf32>
      %and3A_267 = arith.constant 15 : i32
      %and3A_268 = arith.andi %squeeze3A_258, %and3A_267 : i32
      %mul3A_269 = arith.constant 0 : i32
      %mul3A_270 = vector.broadcast %mul3A_269 : i32 to vector<16xi32>
      %mul3A_271 = arith.muli %mul3A_270, %iota3A : vector<16xi32>
      %add3A_272 = vector.broadcast %and3A_268 : i32 to vector<16xi32>
      %add3A_273 = arith.addi %add3A_272, %mul3A_271 : vector<16xi32>
      %broadcast_in_dim3A_274 = vector.shape_cast %add3A_273 : vector<16xi32> to vector<16x1xi32>
      %gather3A_275 = vector.shape_cast %broadcast_in_dim3A_274 : vector<16x1xi32> to vector<16xi32>
      %gather3A_276 = tpu.dynamic_gather %get3A_266[%gather3A_275] in [0] : vector<16xf32>, vector<16xi32> -> vector<16xf32>
      %eq3A_277 = arith.constant 9 : i32
      %eq3A_278 = vector.broadcast %eq3A_277 : i32 to vector<16xi32>
      %eq3A_279 = arith.cmpi eq, %iota3A, %eq3A_278 : vector<16xi32>
      %select_n3A_280 = arith.select %eq3A_279, %gather3A_276, %select_n3A_256 : vector<16xi1>, vector<16xf32>
      %slice3A_281 = vector.extract_strided_slice %get3A_44 {offsets = [10], sizes = [1], strides = [1]} : vector<16xi32> to vector<1xi32>
      %squeeze3A_282 = vector.extract %slice3A_281[0] : i32 from vector<1xi32>
      %shift_right_arithmetic3A_283 = arith.constant 4 : i32
      %shift_right_arithmetic3A_284 = arith.shrsi %squeeze3A_282, %shift_right_arithmetic3A_283 : i32
      %mul3A_285 = arith.constant 16 : i32
      %mul3A_286 = arith.muli %shift_right_arithmetic3A_284, %mul3A_285 : i32
      %multiple_of3A_287 = tpu.assume_multiple %mul3A_286, 16 : i32
      %get3A_288 = arith.index_cast %multiple_of3A_287 : i32 to index
      %get3A_289 = tpu.vector_load %arg5[%get3A_288] {strides = array<i32>} : memref<20000xf32, #tpu.memory_space<vmem>>, vector<16xf32>,
      %get3A_290 = vector.shape_cast %get3A_289 : vector<16xf32> to vector<16xf32>
      %and3A_291 = arith.constant 15 : i32
      %and3A_292 = arith.andi %squeeze3A_282, %and3A_291 : i32
      %mul3A_293 = arith.constant 0 : i32
      %mul3A_294 = vector.broadcast %mul3A_293 : i32 to vector<16xi32>
      %mul3A_295 = arith.muli %mul3A_294, %iota3A : vector<16xi32>
      %add3A_296 = vector.broadcast %and3A_292 : i32 to vector<16xi32>
      %add3A_297 = arith.addi %add3A_296, %mul3A_295 : vector<16xi32>
      %broadcast_in_dim3A_298 = vector.shape_cast %add3A_297 : vector<16xi32> to vector<16x1xi32>
      %gather3A_299 = vector.shape_cast %broadcast_in_dim3A_298 : vector<16x1xi32> to vector<16xi32>
      %gather3A_300 = tpu.dynamic_gather %get3A_290[%gather3A_299] in [0] : vector<16xf32>, vector<16xi32> -> vector<16xf32>
      %eq3A_301 = arith.constant 10 : i32
      %eq3A_302 = vector.broadcast %eq3A_301 : i32 to vector<16xi32>
      %eq3A_303 = arith.cmpi eq, %iota3A, %eq3A_302 : vector<16xi32>
      %select_n3A_304 = arith.select %eq3A_303, %gather3A_300, %select_n3A_280 : vector<16xi1>, vector<16xf32>
      %slice3A_305 = vector.extract_strided_slice %get3A_44 {offsets = [11], sizes = [1], strides = [1]} : vector<16xi32> to vector<1xi32>
      %squeeze3A_306 = vector.extract %slice3A_305[0] : i32 from vector<1xi32>
      %shift_right_arithmetic3A_307 = arith.constant 4 : i32
      %shift_right_arithmetic3A_308 = arith.shrsi %squeeze3A_306, %shift_right_arithmetic3A_307 : i32
      %mul3A_309 = arith.constant 16 : i32
      %mul3A_310 = arith.muli %shift_right_arithmetic3A_308, %mul3A_309 : i32
      %multiple_of3A_311 = tpu.assume_multiple %mul3A_310, 16 : i32
      %get3A_312 = arith.index_cast %multiple_of3A_311 : i32 to index
      %get3A_313 = tpu.vector_load %arg5[%get3A_312] {strides = array<i32>} : memref<20000xf32, #tpu.memory_space<vmem>>, vector<16xf32>,
      %get3A_314 = vector.shape_cast %get3A_313 : vector<16xf32> to vector<16xf32>
      %and3A_315 = arith.constant 15 : i32
      %and3A_316 = arith.andi %squeeze3A_306, %and3A_315 : i32
      %mul3A_317 = arith.constant 0 : i32
      %mul3A_318 = vector.broadcast %mul3A_317 : i32 to vector<16xi32>
      %mul3A_319 = arith.muli %mul3A_318, %iota3A : vector<16xi32>
      %add3A_320 = vector.broadcast %and3A_316 : i32 to vector<16xi32>
      %add3A_321 = arith.addi %add3A_320, %mul3A_319 : vector<16xi32>
      %broadcast_in_dim3A_322 = vector.shape_cast %add3A_321 : vector<16xi32> to vector<16x1xi32>
      %gather3A_323 = vector.shape_cast %broadcast_in_dim3A_322 : vector<16x1xi32> to vector<16xi32>
      %gather3A_324 = tpu.dynamic_gather %get3A_314[%gather3A_323] in [0] : vector<16xf32>, vector<16xi32> -> vector<16xf32>
      %eq3A_325 = arith.constant 11 : i32
      %eq3A_326 = vector.broadcast %eq3A_325 : i32 to vector<16xi32>
      %eq3A_327 = arith.cmpi eq, %iota3A, %eq3A_326 : vector<16xi32>
      %select_n3A_328 = arith.select %eq3A_327, %gather3A_324, %select_n3A_304 : vector<16xi1>, vector<16xf32>
      %slice3A_329 = vector.extract_strided_slice %get3A_44 {offsets = [12], sizes = [1], strides = [1]} : vector<16xi32> to vector<1xi32>
      %squeeze3A_330 = vector.extract %slice3A_329[0] : i32 from vector<1xi32>
      %shift_right_arithmetic3A_331 = arith.constant 4 : i32
      %shift_right_arithmetic3A_332 = arith.shrsi %squeeze3A_330, %shift_right_arithmetic3A_331 : i32
      %mul3A_333 = arith.constant 16 : i32
      %mul3A_334 = arith.muli %shift_right_arithmetic3A_332, %mul3A_333 : i32
      %multiple_of3A_335 = tpu.assume_multiple %mul3A_334, 16 : i32
      %get3A_336 = arith.index_cast %multiple_of3A_335 : i32 to index
      %get3A_337 = tpu.vector_load %arg5[%get3A_336] {strides = array<i32>} : memref<20000xf32, #tpu.memory_space<vmem>>, vector<16xf32>,
      %get3A_338 = vector.shape_cast %get3A_337 : vector<16xf32> to vector<16xf32>
      %and3A_339 = arith.constant 15 : i32
      %and3A_340 = arith.andi %squeeze3A_330, %and3A_339 : i32
      %mul3A_341 = arith.constant 0 : i32
      %mul3A_342 = vector.broadcast %mul3A_341 : i32 to vector<16xi32>
      %mul3A_343 = arith.muli %mul3A_342, %iota3A : vector<16xi32>
      %add3A_344 = vector.broadcast %and3A_340 : i32 to vector<16xi32>
      %add3A_345 = arith.addi %add3A_344, %mul3A_343 : vector<16xi32>
      %broadcast_in_dim3A_346 = vector.shape_cast %add3A_345 : vector<16xi32> to vector<16x1xi32>
      %gather3A_347 = vector.shape_cast %broadcast_in_dim3A_346 : vector<16x1xi32> to vector<16xi32>
      %gather3A_348 = tpu.dynamic_gather %get3A_338[%gather3A_347] in [0] : vector<16xf32>, vector<16xi32> -> vector<16xf32>
      %eq3A_349 = arith.constant 12 : i32
      %eq3A_350 = vector.broadcast %eq3A_349 : i32 to vector<16xi32>
      %eq3A_351 = arith.cmpi eq, %iota3A, %eq3A_350 : vector<16xi32>
      %select_n3A_352 = arith.select %eq3A_351, %gather3A_348, %select_n3A_328 : vector<16xi1>, vector<16xf32>
      %slice3A_353 = vector.extract_strided_slice %get3A_44 {offsets = [13], sizes = [1], strides = [1]} : vector<16xi32> to vector<1xi32>
      %squeeze3A_354 = vector.extract %slice3A_353[0] : i32 from vector<1xi32>
      %shift_right_arithmetic3A_355 = arith.constant 4 : i32
      %shift_right_arithmetic3A_356 = arith.shrsi %squeeze3A_354, %shift_right_arithmetic3A_355 : i32
      %mul3A_357 = arith.constant 16 : i32
      %mul3A_358 = arith.muli %shift_right_arithmetic3A_356, %mul3A_357 : i32
      %multiple_of3A_359 = tpu.assume_multiple %mul3A_358, 16 : i32
      %get3A_360 = arith.index_cast %multiple_of3A_359 : i32 to index
      %get3A_361 = tpu.vector_load %arg5[%get3A_360] {strides = array<i32>} : memref<20000xf32, #tpu.memory_space<vmem>>, vector<16xf32>,
      %get3A_362 = vector.shape_cast %get3A_361 : vector<16xf32> to vector<16xf32>
      %and3A_363 = arith.constant 15 : i32
      %and3A_364 = arith.andi %squeeze3A_354, %and3A_363 : i32
      %mul3A_365 = arith.constant 0 : i32
      %mul3A_366 = vector.broadcast %mul3A_365 : i32 to vector<16xi32>
      %mul3A_367 = arith.muli %mul3A_366, %iota3A : vector<16xi32>
      %add3A_368 = vector.broadcast %and3A_364 : i32 to vector<16xi32>
      %add3A_369 = arith.addi %add3A_368, %mul3A_367 : vector<16xi32>
      %broadcast_in_dim3A_370 = vector.shape_cast %add3A_369 : vector<16xi32> to vector<16x1xi32>
      %gather3A_371 = vector.shape_cast %broadcast_in_dim3A_370 : vector<16x1xi32> to vector<16xi32>
      %gather3A_372 = tpu.dynamic_gather %get3A_362[%gather3A_371] in [0] : vector<16xf32>, vector<16xi32> -> vector<16xf32>
      %eq3A_373 = arith.constant 13 : i32
      %eq3A_374 = vector.broadcast %eq3A_373 : i32 to vector<16xi32>
      %eq3A_375 = arith.cmpi eq, %iota3A, %eq3A_374 : vector<16xi32>
      %select_n3A_376 = arith.select %eq3A_375, %gather3A_372, %select_n3A_352 : vector<16xi1>, vector<16xf32>
      %slice3A_377 = vector.extract_strided_slice %get3A_44 {offsets = [14], sizes = [1], strides = [1]} : vector<16xi32> to vector<1xi32>
      %squeeze3A_378 = vector.extract %slice3A_377[0] : i32 from vector<1xi32>
      %shift_right_arithmetic3A_379 = arith.constant 4 : i32
      %shift_right_arithmetic3A_380 = arith.shrsi %squeeze3A_378, %shift_right_arithmetic3A_379 : i32
      %mul3A_381 = arith.constant 16 : i32
      %mul3A_382 = arith.muli %shift_right_arithmetic3A_380, %mul3A_381 : i32
      %multiple_of3A_383 = tpu.assume_multiple %mul3A_382, 16 : i32
      %get3A_384 = arith.index_cast %multiple_of3A_383 : i32 to index
      %get3A_385 = tpu.vector_load %arg5[%get3A_384] {strides = array<i32>} : memref<20000xf32, #tpu.memory_space<vmem>>, vector<16xf32>,
      %get3A_386 = vector.shape_cast %get3A_385 : vector<16xf32> to vector<16xf32>
      %and3A_387 = arith.constant 15 : i32
      %and3A_388 = arith.andi %squeeze3A_378, %and3A_387 : i32
      %mul3A_389 = arith.constant 0 : i32
      %mul3A_390 = vector.broadcast %mul3A_389 : i32 to vector<16xi32>
      %mul3A_391 = arith.muli %mul3A_390, %iota3A : vector<16xi32>
      %add3A_392 = vector.broadcast %and3A_388 : i32 to vector<16xi32>
      %add3A_393 = arith.addi %add3A_392, %mul3A_391 : vector<16xi32>
      %broadcast_in_dim3A_394 = vector.shape_cast %add3A_393 : vector<16xi32> to vector<16x1xi32>
      %gather3A_395 = vector.shape_cast %broadcast_in_dim3A_394 : vector<16x1xi32> to vector<16xi32>
      %gather3A_396 = tpu.dynamic_gather %get3A_386[%gather3A_395] in [0] : vector<16xf32>, vector<16xi32> -> vector<16xf32>
      %eq3A_397 = arith.constant 14 : i32
      %eq3A_398 = vector.broadcast %eq3A_397 : i32 to vector<16xi32>
      %eq3A_399 = arith.cmpi eq, %iota3A, %eq3A_398 : vector<16xi32>
      %select_n3A_400 = arith.select %eq3A_399, %gather3A_396, %select_n3A_376 : vector<16xi1>, vector<16xf32>
      %slice3A_401 = vector.extract_strided_slice %get3A_44 {offsets = [15], sizes = [1], strides = [1]} : vector<16xi32> to vector<1xi32>
      %squeeze3A_402 = vector.extract %slice3A_401[0] : i32 from vector<1xi32>
      %shift_right_arithmetic3A_403 = arith.constant 4 : i32
      %shift_right_arithmetic3A_404 = arith.shrsi %squeeze3A_402, %shift_right_arithmetic3A_403 : i32
      %mul3A_405 = arith.constant 16 : i32
      %mul3A_406 = arith.muli %shift_right_arithmetic3A_404, %mul3A_405 : i32
      %multiple_of3A_407 = tpu.assume_multiple %mul3A_406, 16 : i32
      %get3A_408 = arith.index_cast %multiple_of3A_407 : i32 to index
      %get3A_409 = tpu.vector_load %arg5[%get3A_408] {strides = array<i32>} : memref<20000xf32, #tpu.memory_space<vmem>>, vector<16xf32>,
      %get3A_410 = vector.shape_cast %get3A_409 : vector<16xf32> to vector<16xf32>
      %and3A_411 = arith.constant 15 : i32
      %and3A_412 = arith.andi %squeeze3A_402, %and3A_411 : i32
      %mul3A_413 = arith.constant 0 : i32
      %mul3A_414 = vector.broadcast %mul3A_413 : i32 to vector<16xi32>
      %mul3A_415 = arith.muli %mul3A_414, %iota3A : vector<16xi32>
      %add3A_416 = vector.broadcast %and3A_412 : i32 to vector<16xi32>
      %add3A_417 = arith.addi %add3A_416, %mul3A_415 : vector<16xi32>
      %broadcast_in_dim3A_418 = vector.shape_cast %add3A_417 : vector<16xi32> to vector<16x1xi32>
      %gather3A_419 = vector.shape_cast %broadcast_in_dim3A_418 : vector<16x1xi32> to vector<16xi32>
      %gather3A_420 = tpu.dynamic_gather %get3A_410[%gather3A_419] in [0] : vector<16xf32>, vector<16xi32> -> vector<16xf32>
      %eq3A_421 = arith.constant 15 : i32
      %eq3A_422 = vector.broadcast %eq3A_421 : i32 to vector<16xi32>
      %eq3A_423 = arith.cmpi eq, %iota3A, %eq3A_422 : vector<16xi32>
      %select_n3A_424 = arith.select %eq3A_423, %gather3A_420, %select_n3A_400 : vector<16xi1>, vector<16xf32>
      %swap3A = arith.index_cast %multiple_of3A : i32 to index
      %swap3A_425 = tpu.vector_load %arg7[%swap3A] {strides = array<i32>} : memref<6000xf32, #tpu.memory_space<vmem>>, vector<16xf32>,
      %swap3A_426 = vector.shape_cast %swap3A_425 : vector<16xf32> to vector<16xf32>
      %swap3A_427 = vector.shape_cast %select_n3A_424 : vector<16xf32> to vector<16xf32>
      tpu.vector_store %arg7[%swap3A], %swap3A_427 {strides = array<i32>} : memref<6000xf32, #tpu.memory_space<vmem>>, vector<16xf32>,
    }
    %scan3A_36 = arith.constant 375 : i32
    "tpu.region"() ({
      %run_scoped3A = tpu.sem_alloc : memref<!tpu.dma_semaphore, #tpu.memory_space<semaphore_mem>>
      %dma_start3A = arith.constant 0 : i32
      %dma_start3A_40 = tpu.memref_slice %arg12[%select_n3A, %select_n3A_30, %dma_start3A] : memref<2x8x6000xf32, #tpu.memory_space<vmem_shared>> -> memref<1x1x6000xf32, #tpu.memory_space<vmem_shared>>
      %dma_start3A_41 = tpu.memref_squeeze %dma_start3A_40 : memref<1x1x6000xf32, #tpu.memory_space<vmem_shared>> -> memref<6000xf32, #tpu.memory_space<vmem_shared>>
      %dma_start3A_42 = arith.constant 0 : i32
      %dma_start3A_43 = tpu.memref_slice %arg12[%select_n3A, %select_n3A_30, %dma_start3A_42] : memref<2x8x6000xf32, #tpu.memory_space<vmem_shared>> -> memref<1x1x6000xf32, #tpu.memory_space<vmem_shared>>
      %dma_start3A_44 = tpu.memref_squeeze %dma_start3A_43 : memref<1x1x6000xf32, #tpu.memory_space<vmem_shared>> -> memref<6000xf32, #tpu.memory_space<vmem_shared>>
      tpu.enqueue_dma source(%arg7 : memref<6000xf32, #tpu.memory_space<vmem>>) target(%dma_start3A_44 : memref<6000xf32, #tpu.memory_space<vmem_shared>>) target_semaphore(%run_scoped3A : memref<!tpu.dma_semaphore, #tpu.memory_space<semaphore_mem>>)
      %dma_wait3A = arith.constant 0 : i32
      %dma_wait3A_45 = tpu.memref_slice %arg12[%select_n3A, %select_n3A_30, %dma_wait3A] : memref<2x8x6000xf32, #tpu.memory_space<vmem_shared>> -> memref<1x1x6000xf32, #tpu.memory_space<vmem_shared>>
      %dma_wait3A_46 = tpu.memref_squeeze %dma_wait3A_45 : memref<1x1x6000xf32, #tpu.memory_space<vmem_shared>> -> memref<6000xf32, #tpu.memory_space<vmem_shared>>
      %dma_wait3A_47 = arith.constant 0 : i32
      %dma_wait3A_48 = tpu.memref_slice %arg12[%select_n3A, %select_n3A_30, %dma_wait3A_47] : memref<2x8x6000xf32, #tpu.memory_space<vmem_shared>> -> memref<1x1x6000xf32, #tpu.memory_space<vmem_shared>>
      %dma_wait3A_49 = tpu.memref_squeeze %dma_wait3A_48 : memref<1x1x6000xf32, #tpu.memory_space<vmem_shared>> -> memref<6000xf32, #tpu.memory_space<vmem_shared>>
      tpu.wait_dma2 semaphore(%run_scoped3A : memref<!tpu.dma_semaphore, #tpu.memory_space<semaphore_mem>>) src(%arg7 : memref<6000xf32, #tpu.memory_space<vmem>>) dst(%dma_wait3A_49 : memref<6000xf32, #tpu.memory_space<vmem_shared>>)
      tpu.yield
    }) : () -> ()
    %barrier3A = arith.constant 0 : index
    tpu.barrier barrier_id(%barrier3A)
    %eq3A_37 = arith.constant 0 : i32
    %eq3A_38 = arith.cmpi eq, %select_n3A_30, %eq3A_37 : i32
    %convert_element_type3A = arith.extui %eq3A_38 : i1 to i32
    %cond3A = arith.constant 0 : i32
    %cond3A_39 = arith.cmpi ne, %convert_element_type3A, %cond3A : i32
    scf.if %cond3A_39 {
      "tpu.region"() ({
        %run_scoped3A = tpu.sem_alloc : memref<!tpu.dma_semaphore, #tpu.memory_space<semaphore_mem>>
        %dma_start3A = arith.constant 0 : i32
        %dma_start3A_67 = arith.constant 0 : i32
        %dma_start3A_68 = tpu.memref_slice %arg12[%select_n3A, %dma_start3A, %dma_start3A_67] : memref<2x8x6000xf32, #tpu.memory_space<vmem_shared>> -> memref<1x8x6000xf32, #tpu.memory_space<vmem_shared>>
        %dma_start3A_69 = tpu.memref_squeeze %dma_start3A_68 : memref<1x8x6000xf32, #tpu.memory_space<vmem_shared>> -> memref<8x6000xf32, #tpu.memory_space<vmem_shared>>
        %dma_start3A_70 = arith.constant 0 : i32
        %dma_start3A_71 = arith.constant 0 : i32
        %dma_start3A_72 = tpu.memref_slice %arg12[%select_n3A, %dma_start3A_70, %dma_start3A_71] : memref<2x8x6000xf32, #tpu.memory_space<vmem_shared>> -> memref<1x8x6000xf32, #tpu.memory_space<vmem_shared>>
        %dma_start3A_73 = tpu.memref_squeeze %dma_start3A_72 : memref<1x8x6000xf32, #tpu.memory_space<vmem_shared>> -> memref<8x6000xf32, #tpu.memory_space<vmem_shared>>
        tpu.enqueue_dma source(%dma_start3A_73 : memref<8x6000xf32, #tpu.memory_space<vmem_shared>>) target(%arg8 : memref<8x6000xf32, #tpu.memory_space<vmem>>) target_semaphore(%run_scoped3A : memref<!tpu.dma_semaphore, #tpu.memory_space<semaphore_mem>>)
        %dma_wait3A = arith.constant 0 : i32
        %dma_wait3A_74 = arith.constant 0 : i32
        %dma_wait3A_75 = tpu.memref_slice %arg12[%select_n3A, %dma_wait3A, %dma_wait3A_74] : memref<2x8x6000xf32, #tpu.memory_space<vmem_shared>> -> memref<1x8x6000xf32, #tpu.memory_space<vmem_shared>>
        %dma_wait3A_76 = tpu.memref_squeeze %dma_wait3A_75 : memref<1x8x6000xf32, #tpu.memory_space<vmem_shared>> -> memref<8x6000xf32, #tpu.memory_space<vmem_shared>>
        %dma_wait3A_77 = arith.constant 0 : i32
        %dma_wait3A_78 = arith.constant 0 : i32
        %dma_wait3A_79 = tpu.memref_slice %arg12[%select_n3A, %dma_wait3A_77, %dma_wait3A_78] : memref<2x8x6000xf32, #tpu.memory_space<vmem_shared>> -> memref<1x8x6000xf32, #tpu.memory_space<vmem_shared>>
        %dma_wait3A_80 = tpu.memref_squeeze %dma_wait3A_79 : memref<1x8x6000xf32, #tpu.memory_space<vmem_shared>> -> memref<8x6000xf32, #tpu.memory_space<vmem_shared>>
        tpu.wait_dma2 semaphore(%run_scoped3A : memref<!tpu.dma_semaphore, #tpu.memory_space<semaphore_mem>>) src(%dma_wait3A_80 : memref<8x6000xf32, #tpu.memory_space<vmem_shared>>) dst(%arg8 : memref<8x6000xf32, #tpu.memory_space<vmem>>)
        tpu.yield
      }) : () -> ()
      %scan3A_40 = arith.constant 0 : i32
      %scan3A_41 = arith.constant 0 : i32
      %scan3A_42 = arith.constant 375 : i32
      %scan3A_43 = arith.addi %scan3A_41, %scan3A_42 : i32
      %scan3A_44 = arith.constant 1 : i32
      scf.for %scan3A_67 = %scan3A_41 to %scan3A_43 step %scan3A_44  : i32 {
        %mul3A_68 = arith.constant 16 : i32
        %mul3A_69 = arith.muli %scan3A_67, %mul3A_68 : i32
        %multiple_of3A = tpu.assume_multiple %mul3A_69, 16 : i32
        %get3A = arith.constant 0 : i32
        %get3A_70 = arith.index_cast %get3A : i32 to index
        %get3A_71 = arith.index_cast %multiple_of3A : i32 to index
        %get3A_72 = tpu.vector_load %arg8[%get3A_70, %get3A_71] {strides = array<i32>} : memref<8x6000xf32, #tpu.memory_space<vmem>>, vector<1x16xf32>,
        %get3A_73 = vector.shape_cast %get3A_72 : vector<1x16xf32> to vector<16xf32>
        %get3A_74 = arith.constant 1 : i32
        %get3A_75 = arith.index_cast %get3A_74 : i32 to index
        %get3A_76 = arith.index_cast %multiple_of3A : i32 to index
        %get3A_77 = tpu.vector_load %arg8[%get3A_75, %get3A_76] {strides = array<i32>} : memref<8x6000xf32, #tpu.memory_space<vmem>>, vector<1x16xf32>,
        %get3A_78 = vector.shape_cast %get3A_77 : vector<1x16xf32> to vector<16xf32>
        %get3A_79 = arith.constant 2 : i32
        %get3A_80 = arith.index_cast %get3A_79 : i32 to index
        %get3A_81 = arith.index_cast %multiple_of3A : i32 to index
        %get3A_82 = tpu.vector_load %arg8[%get3A_80, %get3A_81] {strides = array<i32>} : memref<8x6000xf32, #tpu.memory_space<vmem>>, vector<1x16xf32>,
        %get3A_83 = vector.shape_cast %get3A_82 : vector<1x16xf32> to vector<16xf32>
        %get3A_84 = arith.constant 3 : i32
        %get3A_85 = arith.index_cast %get3A_84 : i32 to index
        %get3A_86 = arith.index_cast %multiple_of3A : i32 to index
        %get3A_87 = tpu.vector_load %arg8[%get3A_85, %get3A_86] {strides = array<i32>} : memref<8x6000xf32, #tpu.memory_space<vmem>>, vector<1x16xf32>,
        %get3A_88 = vector.shape_cast %get3A_87 : vector<1x16xf32> to vector<16xf32>
        %get3A_89 = arith.constant 4 : i32
        %get3A_90 = arith.index_cast %get3A_89 : i32 to index
        %get3A_91 = arith.index_cast %multiple_of3A : i32 to index
        %get3A_92 = tpu.vector_load %arg8[%get3A_90, %get3A_91] {strides = array<i32>} : memref<8x6000xf32, #tpu.memory_space<vmem>>, vector<1x16xf32>,
        %get3A_93 = vector.shape_cast %get3A_92 : vector<1x16xf32> to vector<16xf32>
        %mul3A_94 = arith.constant 1.000000e-01 : f32
        %mul3A_95 = vector.broadcast %mul3A_94 : f32 to vector<16xf32>
        %mul3A_96 = arith.mulf %get3A_93, %mul3A_95 : vector<16xf32>
        %get3A_97 = arith.constant 5 : i32
        %get3A_98 = arith.index_cast %get3A_97 : i32 to index
        %get3A_99 = arith.index_cast %multiple_of3A : i32 to index
        %get3A_100 = tpu.vector_load %arg8[%get3A_98, %get3A_99] {strides = array<i32>} : memref<8x6000xf32, #tpu.memory_space<vmem>>, vector<1x16xf32>,
        %get3A_101 = vector.shape_cast %get3A_100 : vector<1x16xf32> to vector<16xf32>
        %mul3A_102 = arith.constant 1.000000e-01 : f32
        %mul3A_103 = vector.broadcast %mul3A_102 : f32 to vector<16xf32>
        %mul3A_104 = arith.mulf %get3A_101, %mul3A_103 : vector<16xf32>
        %get3A_105 = arith.constant 6 : i32
        %get3A_106 = arith.index_cast %get3A_105 : i32 to index
        %get3A_107 = arith.index_cast %multiple_of3A : i32 to index
        %get3A_108 = tpu.vector_load %arg8[%get3A_106, %get3A_107] {strides = array<i32>} : memref<8x6000xf32, #tpu.memory_space<vmem>>, vector<1x16xf32>,
        %get3A_109 = vector.shape_cast %get3A_108 : vector<1x16xf32> to vector<16xf32>
        %mul3A_110 = arith.constant 2.000000e-01 : f32
        %mul3A_111 = vector.broadcast %mul3A_110 : f32 to vector<16xf32>
        %mul3A_112 = arith.mulf %get3A_109, %mul3A_111 : vector<16xf32>
        %get3A_113 = arith.constant 7 : i32
        %get3A_114 = arith.index_cast %get3A_113 : i32 to index
        %get3A_115 = arith.index_cast %multiple_of3A : i32 to index
        %get3A_116 = tpu.vector_load %arg8[%get3A_114, %get3A_115] {strides = array<i32>} : memref<8x6000xf32, #tpu.memory_space<vmem>>, vector<1x16xf32>,
        %get3A_117 = vector.shape_cast %get3A_116 : vector<1x16xf32> to vector<16xf32>
        %mul3A_118 = arith.constant 2.000000e-01 : f32
        %mul3A_119 = vector.broadcast %mul3A_118 : f32 to vector<16xf32>
        %mul3A_120 = arith.mulf %get3A_117, %mul3A_119 : vector<16xf32>
        %sub3A_121 = arith.subf %get3A_83, %get3A_73 : vector<16xf32>
        %sub3A_122 = arith.subf %get3A_88, %get3A_78 : vector<16xf32>
        %mul3A_123 = arith.constant 5.000000e-01 : f32
        %mul3A_124 = vector.broadcast %mul3A_123 : f32 to vector<16xf32>
        %mul3A_125 = arith.mulf %mul3A_124, %sub3A_121 : vector<16xf32>
        %add3A_126 = arith.addf %get3A_73, %mul3A_125 : vector<16xf32>
        %mul3A_127 = arith.mulf %mul3A_96, %sub3A_121 : vector<16xf32>
        %add3A_128 = arith.addf %add3A_126, %mul3A_127 : vector<16xf32>
        %mul3A_129 = arith.constant 5.000000e-01 : f32
        %mul3A_130 = vector.broadcast %mul3A_129 : f32 to vector<16xf32>
        %mul3A_131 = arith.mulf %mul3A_130, %sub3A_122 : vector<16xf32>
        %add3A_132 = arith.addf %get3A_78, %mul3A_131 : vector<16xf32>
        %mul3A_133 = arith.mulf %mul3A_104, %sub3A_122 : vector<16xf32>
        %add3A_134 = arith.addf %add3A_132, %mul3A_133 : vector<16xf32>
        %exp3A = math.exp %mul3A_112 : vector<16xf32>
        %mul3A_135 = arith.mulf %sub3A_121, %exp3A : vector<16xf32>
        %exp3A_136 = math.exp %mul3A_120 : vector<16xf32>
        %mul3A_137 = arith.mulf %sub3A_122, %exp3A_136 : vector<16xf32>
        %mul3A_138 = arith.constant 5.000000e-01 : f32
        %mul3A_139 = vector.broadcast %mul3A_138 : f32 to vector<16xf32>
        %mul3A_140 = arith.mulf %mul3A_139, %mul3A_135 : vector<16xf32>
        %sub3A_141 = arith.subf %add3A_128, %mul3A_140 : vector<16xf32>
        %mul3A_142 = arith.constant 5.000000e-01 : f32
        %mul3A_143 = vector.broadcast %mul3A_142 : f32 to vector<16xf32>
        %mul3A_144 = arith.mulf %mul3A_143, %mul3A_137 : vector<16xf32>
        %sub3A_145 = arith.subf %add3A_134, %mul3A_144 : vector<16xf32>
        %add3A_146 = arith.addf %sub3A_141, %mul3A_135 : vector<16xf32>
        %add3A_147 = arith.addf %sub3A_145, %mul3A_137 : vector<16xf32>
        %max3A = arith.constant 0.000000e+00 : f32
        %max3A_148 = vector.broadcast %max3A : f32 to vector<16xf32>
        %max3A_149 = arith.maximumf %sub3A_141, %max3A_148 : vector<16xf32>
        %min3A = arith.constant 1.000000e+00 : f32
        %min3A_150 = vector.broadcast %min3A : f32 to vector<16xf32>
        %min3A_151 = arith.minimumf %max3A_149, %min3A_150 : vector<16xf32>
        %max3A_152 = arith.constant 0.000000e+00 : f32
        %max3A_153 = vector.broadcast %max3A_152 : f32 to vector<16xf32>
        %max3A_154 = arith.maximumf %sub3A_145, %max3A_153 : vector<16xf32>
        %min3A_155 = arith.constant 1.000000e+00 : f32
        %min3A_156 = vector.broadcast %min3A_155 : f32 to vector<16xf32>
        %min3A_157 = arith.minimumf %max3A_154, %min3A_156 : vector<16xf32>
        %max3A_158 = arith.constant 0.000000e+00 : f32
        %max3A_159 = vector.broadcast %max3A_158 : f32 to vector<16xf32>
        %max3A_160 = arith.maximumf %add3A_146, %max3A_159 : vector<16xf32>
        %min3A_161 = arith.constant 1.000000e+00 : f32
        %min3A_162 = vector.broadcast %min3A_161 : f32 to vector<16xf32>
        %min3A_163 = arith.minimumf %max3A_160, %min3A_162 : vector<16xf32>
        %max3A_164 = arith.constant 0.000000e+00 : f32
        %max3A_165 = vector.broadcast %max3A_164 : f32 to vector<16xf32>
        %max3A_166 = arith.maximumf %add3A_147, %max3A_165 : vector<16xf32>
        %min3A_167 = arith.constant 1.000000e+00 : f32
        %min3A_168 = vector.broadcast %min3A_167 : f32 to vector<16xf32>
        %min3A_169 = arith.minimumf %max3A_166, %min3A_168 : vector<16xf32>
        %swap3A_170 = arith.constant 0 : i32
        %swap3A_171 = arith.index_cast %swap3A_170 : i32 to index
        %swap3A_172 = arith.index_cast %multiple_of3A : i32 to index
        %swap3A_173 = tpu.vector_load %arg8[%swap3A_171, %swap3A_172] {strides = array<i32>} : memref<8x6000xf32, #tpu.memory_space<vmem>>, vector<1x16xf32>,
        %swap3A_174 = vector.shape_cast %swap3A_173 : vector<1x16xf32> to vector<16xf32>
        %swap3A_175 = vector.shape_cast %min3A_151 : vector<16xf32> to vector<1x16xf32>
        tpu.vector_store %arg8[%swap3A_171, %swap3A_172], %swap3A_175 {strides = array<i32>} : memref<8x6000xf32, #tpu.memory_space<vmem>>, vector<1x16xf32>,
        %swap3A_176 = arith.constant 1 : i32
        %swap3A_177 = arith.index_cast %swap3A_176 : i32 to index
        %swap3A_178 = arith.index_cast %multiple_of3A : i32 to index
        %swap3A_179 = tpu.vector_load %arg8[%swap3A_177, %swap3A_178] {strides = array<i32>} : memref<8x6000xf32, #tpu.memory_space<vmem>>, vector<1x16xf32>,
        %swap3A_180 = vector.shape_cast %swap3A_179 : vector<1x16xf32> to vector<16xf32>
        %swap3A_181 = vector.shape_cast %min3A_157 : vector<16xf32> to vector<1x16xf32>
        tpu.vector_store %arg8[%swap3A_177, %swap3A_178], %swap3A_181 {strides = array<i32>} : memref<8x6000xf32, #tpu.memory_space<vmem>>, vector<1x16xf32>,
        %swap3A_182 = arith.constant 2 : i32
        %swap3A_183 = arith.index_cast %swap3A_182 : i32 to index
        %swap3A_184 = arith.index_cast %multiple_of3A : i32 to index
        %swap3A_185 = tpu.vector_load %arg8[%swap3A_183, %swap3A_184] {strides = array<i32>} : memref<8x6000xf32, #tpu.memory_space<vmem>>, vector<1x16xf32>,
        %swap3A_186 = vector.shape_cast %swap3A_185 : vector<1x16xf32> to vector<16xf32>
        %swap3A_187 = vector.shape_cast %min3A_163 : vector<16xf32> to vector<1x16xf32>
        tpu.vector_store %arg8[%swap3A_183, %swap3A_184], %swap3A_187 {strides = array<i32>} : memref<8x6000xf32, #tpu.memory_space<vmem>>, vector<1x16xf32>,
        %swap3A_188 = arith.constant 3 : i32
        %swap3A_189 = arith.index_cast %swap3A_188 : i32 to index
        %swap3A_190 = arith.index_cast %multiple_of3A : i32 to index
        %swap3A_191 = tpu.vector_load %arg8[%swap3A_189, %swap3A_190] {strides = array<i32>} : memref<8x6000xf32, #tpu.memory_space<vmem>>, vector<1x16xf32>,
        %swap3A_192 = vector.shape_cast %swap3A_191 : vector<1x16xf32> to vector<16xf32>
        %swap3A_193 = vector.shape_cast %min3A_169 : vector<16xf32> to vector<1x16xf32>
        tpu.vector_store %arg8[%swap3A_189, %swap3A_190], %swap3A_193 {strides = array<i32>} : memref<8x6000xf32, #tpu.memory_space<vmem>>, vector<1x16xf32>,
        %sub3A_194 = arith.subf %min3A_163, %min3A_151 : vector<16xf32>
        %sub3A_195 = arith.subf %min3A_169, %min3A_157 : vector<16xf32>
        %mul3A_196 = arith.mulf %sub3A_194, %sub3A_195 : vector<16xf32>
        %swap3A_197 = arith.constant 4 : i32
        %swap3A_198 = arith.index_cast %swap3A_197 : i32 to index
        %swap3A_199 = arith.index_cast %multiple_of3A : i32 to index
        %swap3A_200 = tpu.vector_load %arg8[%swap3A_198, %swap3A_199] {strides = array<i32>} : memref<8x6000xf32, #tpu.memory_space<vmem>>, vector<1x16xf32>,
        %swap3A_201 = vector.shape_cast %swap3A_200 : vector<1x16xf32> to vector<16xf32>
        %swap3A_202 = vector.shape_cast %mul3A_196 : vector<16xf32> to vector<1x16xf32>
        tpu.vector_store %arg8[%swap3A_198, %swap3A_199], %swap3A_202 {strides = array<i32>} : memref<8x6000xf32, #tpu.memory_space<vmem>>, vector<1x16xf32>,
      }
      %scan3A_45 = arith.constant 375 : i32
      %scan3A_46 = arith.constant 0 : i32
      %scan3A_47 = arith.constant 0 : i32
      %scan3A_48 = arith.constant 250 : i32
      %scan3A_49 = arith.addi %scan3A_47, %scan3A_48 : i32
      %scan3A_50 = arith.constant 1 : i32
      scf.for %scan3A_67 = %scan3A_47 to %scan3A_49 step %scan3A_50  : i32 {
        %mul3A_68 = arith.constant 16 : i32
        %mul3A_69 = arith.muli %scan3A_67, %mul3A_68 : i32
        %multiple_of3A = tpu.assume_multiple %mul3A_69, 16 : i32
        %swap3A_70 = arith.index_cast %multiple_of3A : i32 to index
        %swap3A_71 = tpu.vector_load %arg10[%swap3A_70] {strides = array<i32>} : memref<4000xf32, #tpu.memory_space<vmem>>, vector<16xf32>,
        %swap3A_72 = vector.shape_cast %swap3A_71 : vector<16xf32> to vector<16xf32>
        %swap3A_73 = vector.shape_cast %broadcast_in_dim3A_31 : vector<16xf32> to vector<16xf32>
        tpu.vector_store %arg10[%swap3A_70], %swap3A_73 {strides = array<i32>} : memref<4000xf32, #tpu.memory_space<vmem>>, vector<16xf32>,
      }
      %scan3A_51 = arith.constant 250 : i32
      %scan3A_52 = arith.constant 0 : i32
      %scan3A_53 = arith.constant 0 : i32
      %scan3A_54 = arith.constant 64 : i32
      %scan3A_55 = arith.addi %scan3A_53, %scan3A_54 : i32
      %scan3A_56 = arith.constant 1 : i32
      scf.for %scan3A_67 = %scan3A_53 to %scan3A_55 step %scan3A_56  : i32 {
        %mul3A_68 = arith.constant 16 : i32
        %mul3A_69 = arith.muli %scan3A_67, %mul3A_68 : i32
        %multiple_of3A = tpu.assume_multiple %mul3A_69, 16 : i32
        %swap3A_70 = arith.constant 0 : i32
        %swap3A_71 = arith.index_cast %swap3A_70 : i32 to index
        %swap3A_72 = arith.index_cast %multiple_of3A : i32 to index
        %swap3A_73 = tpu.vector_load %arg9[%swap3A_71, %swap3A_72] {strides = array<i32>} : memref<5x1024xf32, #tpu.memory_space<vmem>>, vector<1x16xf32>,
        %swap3A_74 = vector.shape_cast %swap3A_73 : vector<1x16xf32> to vector<16xf32>
        %swap3A_75 = vector.shape_cast %broadcast_in_dim3A_31 : vector<16xf32> to vector<1x16xf32>
        tpu.vector_store %arg9[%swap3A_71, %swap3A_72], %swap3A_75 {strides = array<i32>} : memref<5x1024xf32, #tpu.memory_space<vmem>>, vector<1x16xf32>,
        %swap3A_76 = arith.constant 1 : i32
        %swap3A_77 = arith.index_cast %swap3A_76 : i32 to index
        %swap3A_78 = arith.index_cast %multiple_of3A : i32 to index
        %swap3A_79 = tpu.vector_load %arg9[%swap3A_77, %swap3A_78] {strides = array<i32>} : memref<5x1024xf32, #tpu.memory_space<vmem>>, vector<1x16xf32>,
        %swap3A_80 = vector.shape_cast %swap3A_79 : vector<1x16xf32> to vector<16xf32>
        %swap3A_81 = vector.shape_cast %broadcast_in_dim3A_31 : vector<16xf32> to vector<1x16xf32>
        tpu.vector_store %arg9[%swap3A_77, %swap3A_78], %swap3A_81 {strides = array<i32>} : memref<5x1024xf32, #tpu.memory_space<vmem>>, vector<1x16xf32>,
        %swap3A_82 = arith.constant 2 : i32
        %swap3A_83 = arith.index_cast %swap3A_82 : i32 to index
        %swap3A_84 = arith.index_cast %multiple_of3A : i32 to index
        %swap3A_85 = tpu.vector_load %arg9[%swap3A_83, %swap3A_84] {strides = array<i32>} : memref<5x1024xf32, #tpu.memory_space<vmem>>, vector<1x16xf32>,
        %swap3A_86 = vector.shape_cast %swap3A_85 : vector<1x16xf32> to vector<16xf32>
        %swap3A_87 = vector.shape_cast %broadcast_in_dim3A_31 : vector<16xf32> to vector<1x16xf32>
        tpu.vector_store %arg9[%swap3A_83, %swap3A_84], %swap3A_87 {strides = array<i32>} : memref<5x1024xf32, #tpu.memory_space<vmem>>, vector<1x16xf32>,
        %swap3A_88 = arith.constant 3 : i32
        %swap3A_89 = arith.index_cast %swap3A_88 : i32 to index
        %swap3A_90 = arith.index_cast %multiple_of3A : i32 to index
        %swap3A_91 = tpu.vector_load %arg9[%swap3A_89, %swap3A_90] {strides = array<i32>} : memref<5x1024xf32, #tpu.memory_space<vmem>>, vector<1x16xf32>,
        %swap3A_92 = vector.shape_cast %swap3A_91 : vector<1x16xf32> to vector<16xf32>
        %swap3A_93 = vector.shape_cast %broadcast_in_dim3A_31 : vector<16xf32> to vector<1x16xf32>
        tpu.vector_store %arg9[%swap3A_89, %swap3A_90], %swap3A_93 {strides = array<i32>} : memref<5x1024xf32, #tpu.memory_space<vmem>>, vector<1x16xf32>,
        %swap3A_94 = arith.constant 4 : i32
        %swap3A_95 = arith.index_cast %swap3A_94 : i32 to index
        %swap3A_96 = arith.index_cast %multiple_of3A : i32 to index
        %swap3A_97 = tpu.vector_load %arg9[%swap3A_95, %swap3A_96] {strides = array<i32>} : memref<5x1024xf32, #tpu.memory_space<vmem>>, vector<1x16xf32>,
        %swap3A_98 = vector.shape_cast %swap3A_97 : vector<1x16xf32> to vector<16xf32>
        %swap3A_99 = vector.shape_cast %broadcast_in_dim3A_31 : vector<16xf32> to vector<1x16xf32>
        tpu.vector_store %arg9[%swap3A_95, %swap3A_96], %swap3A_99 {strides = array<i32>} : memref<5x1024xf32, #tpu.memory_space<vmem>>, vector<1x16xf32>,
      }
      %scan3A_57 = arith.constant 64 : i32
      %swap3A = arith.constant 0 : i32
      %swap3A_58 = arith.constant 0 : i32
      %swap3A_59 = arith.index_cast %swap3A_58 : i32 to index
      %swap3A_60 = memref.load %arg11[%swap3A_59] : memref<1xi32, #tpu.memory_space<smem>>
      memref.store %swap3A, %arg11[%swap3A_59] : memref<1xi32, #tpu.memory_space<smem>>
      %scan3A_61 = arith.constant 0 : i32
      %scan3A_62 = arith.constant 0 : i32
      %scan3A_63 = arith.constant 6000 : i32
      %scan3A_64 = arith.addi %scan3A_62, %scan3A_63 : i32
      %scan3A_65 = arith.constant 1 : i32
      scf.for %scan3A_67 = %scan3A_62 to %scan3A_64 step %scan3A_65  : i32 {
        %get3A = arith.constant 0 : i32
        %get3A_68 = arith.index_cast %get3A : i32 to index
        %get3A_69 = memref.load %arg11[%get3A_68] : memref<1xi32, #tpu.memory_space<smem>>
        %lt3A_70 = arith.constant 1000 : i32
        %lt3A_71 = arith.cmpi slt, %get3A_69, %lt3A_70 : i32
        %convert_element_type3A_72 = arith.extui %lt3A_71 : i1 to i32
        %cond3A_73 = arith.constant 0 : i32
        %cond3A_74 = arith.cmpi ne, %convert_element_type3A_72, %cond3A_73 : i32
        scf.if %cond3A_74 {
          %shift_right_arithmetic3A = arith.constant 4 : i32
          %shift_right_arithmetic3A_75 = arith.shrsi %scan3A_67, %shift_right_arithmetic3A : i32
          %mul3A_76 = arith.constant 16 : i32
          %mul3A_77 = arith.muli %shift_right_arithmetic3A_75, %mul3A_76 : i32
          %multiple_of3A = tpu.assume_multiple %mul3A_77, 16 : i32
          %and3A_78 = arith.constant 15 : i32
          %and3A_79 = arith.andi %scan3A_67, %and3A_78 : i32
          %mul3A_80 = arith.constant 0 : i32
          %mul3A_81 = vector.broadcast %mul3A_80 : i32 to vector<16xi32>
          %mul3A_82 = arith.muli %mul3A_81, %iota3A : vector<16xi32>
          %add3A_83 = vector.broadcast %and3A_79 : i32 to vector<16xi32>
          %add3A_84 = arith.addi %add3A_83, %mul3A_82 : vector<16xi32>
          %get3A_85 = arith.constant 0 : i32
          %get3A_86 = arith.index_cast %get3A_85 : i32 to index
          %get3A_87 = arith.index_cast %multiple_of3A : i32 to index
          %get3A_88 = tpu.vector_load %arg8[%get3A_86, %get3A_87] {strides = array<i32>} : memref<8x6000xf32, #tpu.memory_space<vmem>>, vector<1x16xf32>,
          %get3A_89 = vector.shape_cast %get3A_88 : vector<1x16xf32> to vector<16xf32>
          %broadcast_in_dim3A_90 = vector.shape_cast %add3A_84 : vector<16xi32> to vector<16x1xi32>
          %gather3A = vector.shape_cast %broadcast_in_dim3A_90 : vector<16x1xi32> to vector<16xi32>
          %gather3A_91 = tpu.dynamic_gather %get3A_89[%gather3A] in [0] : vector<16xf32>, vector<16xi32> -> vector<16xf32>
          %get3A_92 = arith.constant 1 : i32
          %get3A_93 = arith.index_cast %get3A_92 : i32 to index
          %get3A_94 = arith.index_cast %multiple_of3A : i32 to index
          %get3A_95 = tpu.vector_load %arg8[%get3A_93, %get3A_94] {strides = array<i32>} : memref<8x6000xf32, #tpu.memory_space<vmem>>, vector<1x16xf32>,
          %get3A_96 = vector.shape_cast %get3A_95 : vector<1x16xf32> to vector<16xf32>
          %broadcast_in_dim3A_97 = vector.shape_cast %add3A_84 : vector<16xi32> to vector<16x1xi32>
          %gather3A_98 = vector.shape_cast %broadcast_in_dim3A_97 : vector<16x1xi32> to vector<16xi32>
          %gather3A_99 = tpu.dynamic_gather %get3A_96[%gather3A_98] in [0] : vector<16xf32>, vector<16xi32> -> vector<16xf32>
          %get3A_100 = arith.constant 2 : i32
          %get3A_101 = arith.index_cast %get3A_100 : i32 to index
          %get3A_102 = arith.index_cast %multiple_of3A : i32 to index
          %get3A_103 = tpu.vector_load %arg8[%get3A_101, %get3A_102] {strides = array<i32>} : memref<8x6000xf32, #tpu.memory_space<vmem>>, vector<1x16xf32>,
          %get3A_104 = vector.shape_cast %get3A_103 : vector<1x16xf32> to vector<16xf32>
          %broadcast_in_dim3A_105 = vector.shape_cast %add3A_84 : vector<16xi32> to vector<16x1xi32>
          %gather3A_106 = vector.shape_cast %broadcast_in_dim3A_105 : vector<16x1xi32> to vector<16xi32>
          %gather3A_107 = tpu.dynamic_gather %get3A_104[%gather3A_106] in [0] : vector<16xf32>, vector<16xi32> -> vector<16xf32>
          %get3A_108 = arith.constant 3 : i32
          %get3A_109 = arith.index_cast %get3A_108 : i32 to index
          %get3A_110 = arith.index_cast %multiple_of3A : i32 to index
          %get3A_111 = tpu.vector_load %arg8[%get3A_109, %get3A_110] {strides = array<i32>} : memref<8x6000xf32, #tpu.memory_space<vmem>>, vector<1x16xf32>,
          %get3A_112 = vector.shape_cast %get3A_111 : vector<1x16xf32> to vector<16xf32>
          %broadcast_in_dim3A_113 = vector.shape_cast %add3A_84 : vector<16xi32> to vector<16x1xi32>
          %gather3A_114 = vector.shape_cast %broadcast_in_dim3A_113 : vector<16x1xi32> to vector<16xi32>
          %gather3A_115 = tpu.dynamic_gather %get3A_112[%gather3A_114] in [0] : vector<16xf32>, vector<16xi32> -> vector<16xf32>
          %get3A_116 = arith.constant 4 : i32
          %get3A_117 = arith.index_cast %get3A_116 : i32 to index
          %get3A_118 = arith.index_cast %multiple_of3A : i32 to index
          %get3A_119 = tpu.vector_load %arg8[%get3A_117, %get3A_118] {strides = array<i32>} : memref<8x6000xf32, #tpu.memory_space<vmem>>, vector<1x16xf32>,
          %get3A_120 = vector.shape_cast %get3A_119 : vector<1x16xf32> to vector<16xf32>
          %broadcast_in_dim3A_121 = vector.shape_cast %add3A_84 : vector<16xi32> to vector<16x1xi32>
          %gather3A_122 = vector.shape_cast %broadcast_in_dim3A_121 : vector<16x1xi32> to vector<16xi32>
          %gather3A_123 = tpu.dynamic_gather %get3A_120[%gather3A_122] in [0] : vector<16xf32>, vector<16xi32> -> vector<16xf32>
          %get3A_124 = arith.constant 0 : i32
          %get3A_125 = arith.index_cast %get3A_124 : i32 to index
          %get3A_126 = memref.load %arg11[%get3A_125] : memref<1xi32, #tpu.memory_space<smem>>
          %add3A_127 = arith.constant 31 : i32
          %add3A_128 = arith.addi %get3A_126, %add3A_127 : i32
          %shift_right_arithmetic3A_129 = arith.constant 5 : i32
          %shift_right_arithmetic3A_130 = arith.shrsi %add3A_128, %shift_right_arithmetic3A_129 : i32
          %while3A = arith.constant 0 : i32
          %while3A_131 = arith.subi %shift_right_arithmetic3A_130, %while3A : i32
          %while3A_132 = arith.addi %while3A, %while3A_131 : i32
          %while3A_133 = arith.constant 1 : i32
          %while3A_134 = arith.divsi %while3A_131, %while3A_133 : i32
          %while3A_135 = arith.muli %while3A_134, %while3A_133 : i32
          %while3A_136 = arith.addi %while3A, %while3A_135 : i32
          %while3A_137 = arith.constant 1 : i32
          %while3A_138:2 = scf.for %while3A_282 = %while3A to %while3A_136 step %while3A_137 iter_args(%while3A_283 = %broadcast_in_dim3A_31, %while3A_284 = %broadcast_in_dim3A_31) -> (vector<16xf32>, vector<16xf32>)  : i32 {
            %mul3A_285 = arith.constant 2 : i32
            %mul3A_286 = arith.muli %while3A_282, %mul3A_285 : i32
            %mul3A_287 = arith.constant 16 : i32
            %mul3A_288 = arith.muli %mul3A_286, %mul3A_287 : i32
            %multiple_of3A_289 = tpu.assume_multiple %mul3A_288, 16 : i32
            %mul3A_290 = arith.constant 2 : i32
            %mul3A_291 = arith.muli %while3A_282, %mul3A_290 : i32
            %mul3A_292 = arith.constant 16 : i32
            %mul3A_293 = arith.muli %mul3A_291, %mul3A_292 : i32
            %add3A_294 = arith.constant 16 : i32
            %add3A_295 = arith.addi %mul3A_293, %add3A_294 : i32
            %multiple_of3A_296 = tpu.assume_multiple %add3A_295, 16 : i32
            %get3A_297 = arith.constant 0 : i32
            %get3A_298 = arith.index_cast %get3A_297 : i32 to index
            %get3A_299 = arith.index_cast %multiple_of3A_289 : i32 to index
            %get3A_300 = tpu.vector_load %arg9[%get3A_298, %get3A_299] {strides = array<i32>} : memref<5x1024xf32, #tpu.memory_space<vmem>>, vector<1x16xf32>,
            %get3A_301 = vector.shape_cast %get3A_300 : vector<1x16xf32> to vector<16xf32>
            %max3A_302 = arith.maximumf %gather3A_91, %get3A_301 : vector<16xf32>
            %get3A_303 = arith.constant 0 : i32
            %get3A_304 = arith.index_cast %get3A_303 : i32 to index
            %get3A_305 = arith.index_cast %multiple_of3A_296 : i32 to index
            %get3A_306 = tpu.vector_load %arg9[%get3A_304, %get3A_305] {strides = array<i32>} : memref<5x1024xf32, #tpu.memory_space<vmem>>, vector<1x16xf32>,
            %get3A_307 = vector.shape_cast %get3A_306 : vector<1x16xf32> to vector<16xf32>
            %max3A_308 = arith.maximumf %gather3A_91, %get3A_307 : vector<16xf32>
            %get3A_309 = arith.constant 1 : i32
            %get3A_310 = arith.index_cast %get3A_309 : i32 to index
            %get3A_311 = arith.index_cast %multiple_of3A_289 : i32 to index
            %get3A_312 = tpu.vector_load %arg9[%get3A_310, %get3A_311] {strides = array<i32>} : memref<5x1024xf32, #tpu.memory_space<vmem>>, vector<1x16xf32>,
            %get3A_313 = vector.shape_cast %get3A_312 : vector<1x16xf32> to vector<16xf32>
            %max3A_314 = arith.maximumf %gather3A_99, %get3A_313 : vector<16xf32>
            %get3A_315 = arith.constant 1 : i32
            %get3A_316 = arith.index_cast %get3A_315 : i32 to index
            %get3A_317 = arith.index_cast %multiple_of3A_296 : i32 to index
            %get3A_318 = tpu.vector_load %arg9[%get3A_316, %get3A_317] {strides = array<i32>} : memref<5x1024xf32, #tpu.memory_space<vmem>>, vector<1x16xf32>,
            %get3A_319 = vector.shape_cast %get3A_318 : vector<1x16xf32> to vector<16xf32>
            %max3A_320 = arith.maximumf %gather3A_99, %get3A_319 : vector<16xf32>
            %get3A_321 = arith.constant 2 : i32
            %get3A_322 = arith.index_cast %get3A_321 : i32 to index
            %get3A_323 = arith.index_cast %multiple_of3A_289 : i32 to index
            %get3A_324 = tpu.vector_load %arg9[%get3A_322, %get3A_323] {strides = array<i32>} : memref<5x1024xf32, #tpu.memory_space<vmem>>, vector<1x16xf32>,
            %get3A_325 = vector.shape_cast %get3A_324 : vector<1x16xf32> to vector<16xf32>
            %min3A = arith.minimumf %gather3A_107, %get3A_325 : vector<16xf32>
            %get3A_326 = arith.constant 2 : i32
            %get3A_327 = arith.index_cast %get3A_326 : i32 to index
            %get3A_328 = arith.index_cast %multiple_of3A_296 : i32 to index
            %get3A_329 = tpu.vector_load %arg9[%get3A_327, %get3A_328] {strides = array<i32>} : memref<5x1024xf32, #tpu.memory_space<vmem>>, vector<1x16xf32>,
            %get3A_330 = vector.shape_cast %get3A_329 : vector<1x16xf32> to vector<16xf32>
            %min3A_331 = arith.minimumf %gather3A_107, %get3A_330 : vector<16xf32>
            %get3A_332 = arith.constant 3 : i32
            %get3A_333 = arith.index_cast %get3A_332 : i32 to index
            %get3A_334 = arith.index_cast %multiple_of3A_289 : i32 to index
            %get3A_335 = tpu.vector_load %arg9[%get3A_333, %get3A_334] {strides = array<i32>} : memref<5x1024xf32, #tpu.memory_space<vmem>>, vector<1x16xf32>,
            %get3A_336 = vector.shape_cast %get3A_335 : vector<1x16xf32> to vector<16xf32>
            %min3A_337 = arith.minimumf %gather3A_115, %get3A_336 : vector<16xf32>
            %get3A_338 = arith.constant 3 : i32
            %get3A_339 = arith.index_cast %get3A_338 : i32 to index
            %get3A_340 = arith.index_cast %multiple_of3A_296 : i32 to index
            %get3A_341 = tpu.vector_load %arg9[%get3A_339, %get3A_340] {strides = array<i32>} : memref<5x1024xf32, #tpu.memory_space<vmem>>, vector<1x16xf32>,
            %get3A_342 = vector.shape_cast %get3A_341 : vector<1x16xf32> to vector<16xf32>
            %min3A_343 = arith.minimumf %gather3A_115, %get3A_342 : vector<16xf32>
            %sub3A_344 = arith.subf %min3A, %max3A_302 : vector<16xf32>
            %max3A_345 = arith.constant 0.000000e+00 : f32
            %max3A_346 = vector.broadcast %max3A_345 : f32 to vector<16xf32>
            %max3A_347 = arith.maximumf %sub3A_344, %max3A_346 : vector<16xf32>
            %sub3A_348 = arith.subf %min3A_337, %max3A_314 : vector<16xf32>
            %max3A_349 = arith.constant 0.000000e+00 : f32
            %max3A_350 = vector.broadcast %max3A_349 : f32 to vector<16xf32>
            %max3A_351 = arith.maximumf %sub3A_348, %max3A_350 : vector<16xf32>
            %mul3A_352 = arith.mulf %max3A_347, %max3A_351 : vector<16xf32>
            %sub3A_353 = arith.subf %min3A_331, %max3A_308 : vector<16xf32>
            %max3A_354 = arith.constant 0.000000e+00 : f32
            %max3A_355 = vector.broadcast %max3A_354 : f32 to vector<16xf32>
            %max3A_356 = arith.maximumf %sub3A_353, %max3A_355 : vector<16xf32>
            %sub3A_357 = arith.subf %min3A_343, %max3A_320 : vector<16xf32>
            %max3A_358 = arith.constant 0.000000e+00 : f32
            %max3A_359 = vector.broadcast %max3A_358 : f32 to vector<16xf32>
            %max3A_360 = arith.maximumf %sub3A_357, %max3A_359 : vector<16xf32>
            %mul3A_361 = arith.mulf %max3A_356, %max3A_360 : vector<16xf32>
            %get3A_362 = arith.constant 4 : i32
            %get3A_363 = arith.index_cast %get3A_362 : i32 to index
            %get3A_364 = arith.index_cast %multiple_of3A_289 : i32 to index
            %get3A_365 = tpu.vector_load %arg9[%get3A_363, %get3A_364] {strides = array<i32>} : memref<5x1024xf32, #tpu.memory_space<vmem>>, vector<1x16xf32>,
            %get3A_366 = vector.shape_cast %get3A_365 : vector<1x16xf32> to vector<16xf32>
            %add3A_367 = arith.addf %gather3A_123, %get3A_366 : vector<16xf32>
            %sub3A_368 = arith.subf %add3A_367, %mul3A_352 : vector<16xf32>
            %add3A_369 = arith.constant 9.99999993E-9 : f32
            %add3A_370 = vector.broadcast %add3A_369 : f32 to vector<16xf32>
            %add3A_371 = arith.addf %sub3A_368, %add3A_370 : vector<16xf32>
            %div3A_372 = arith.divf %mul3A_352, %add3A_371 : vector<16xf32>
            %get3A_373 = arith.constant 4 : i32
            %get3A_374 = arith.index_cast %get3A_373 : i32 to index
            %get3A_375 = arith.index_cast %multiple_of3A_296 : i32 to index
            %get3A_376 = tpu.vector_load %arg9[%get3A_374, %get3A_375] {strides = array<i32>} : memref<5x1024xf32, #tpu.memory_space<vmem>>, vector<1x16xf32>,
            %get3A_377 = vector.shape_cast %get3A_376 : vector<1x16xf32> to vector<16xf32>
            %add3A_378 = arith.addf %gather3A_123, %get3A_377 : vector<16xf32>
            %sub3A_379 = arith.subf %add3A_378, %mul3A_361 : vector<16xf32>
            %add3A_380 = arith.constant 9.99999993E-9 : f32
            %add3A_381 = vector.broadcast %add3A_380 : f32 to vector<16xf32>
            %add3A_382 = arith.addf %sub3A_379, %add3A_381 : vector<16xf32>
            %div3A_383 = arith.divf %mul3A_361, %add3A_382 : vector<16xf32>
            %max3A_384 = arith.maximumf %while3A_283, %div3A_372 : vector<16xf32>
            %max3A_385 = arith.maximumf %while3A_284, %div3A_383 : vector<16xf32>
            scf.yield %max3A_384, %max3A_385 : vector<16xf32>, vector<16xf32>
          }
          %while3A_139 = arith.constant 1 : i32
          %while3A_140:2 = scf.for %while3A_282 = %while3A_136 to %while3A_132 step %while3A_139 iter_args(%while3A_283 = %while3A_138#0, %while3A_284 = %while3A_138#1) -> (vector<16xf32>, vector<16xf32>)  : i32 {
            %mul3A_285 = arith.constant 2 : i32
            %mul3A_286 = arith.muli %while3A_282, %mul3A_285 : i32
            %mul3A_287 = arith.constant 16 : i32
            %mul3A_288 = arith.muli %mul3A_286, %mul3A_287 : i32
            %multiple_of3A_289 = tpu.assume_multiple %mul3A_288, 16 : i32
            %mul3A_290 = arith.constant 2 : i32
            %mul3A_291 = arith.muli %while3A_282, %mul3A_290 : i32
            %mul3A_292 = arith.constant 16 : i32
            %mul3A_293 = arith.muli %mul3A_291, %mul3A_292 : i32
            %add3A_294 = arith.constant 16 : i32
            %add3A_295 = arith.addi %mul3A_293, %add3A_294 : i32
            %multiple_of3A_296 = tpu.assume_multiple %add3A_295, 16 : i32
            %get3A_297 = arith.constant 0 : i32
            %get3A_298 = arith.index_cast %get3A_297 : i32 to index
            %get3A_299 = arith.index_cast %multiple_of3A_289 : i32 to index
            %get3A_300 = tpu.vector_load %arg9[%get3A_298, %get3A_299] {strides = array<i32>} : memref<5x1024xf32, #tpu.memory_space<vmem>>, vector<1x16xf32>,
            %get3A_301 = vector.shape_cast %get3A_300 : vector<1x16xf32> to vector<16xf32>
            %max3A_302 = arith.maximumf %gather3A_91, %get3A_301 : vector<16xf32>
            %get3A_303 = arith.constant 0 : i32
            %get3A_304 = arith.index_cast %get3A_303 : i32 to index
            %get3A_305 = arith.index_cast %multiple_of3A_296 : i32 to index
            %get3A_306 = tpu.vector_load %arg9[%get3A_304, %get3A_305] {strides = array<i32>} : memref<5x1024xf32, #tpu.memory_space<vmem>>, vector<1x16xf32>,
            %get3A_307 = vector.shape_cast %get3A_306 : vector<1x16xf32> to vector<16xf32>
            %max3A_308 = arith.maximumf %gather3A_91, %get3A_307 : vector<16xf32>
            %get3A_309 = arith.constant 1 : i32
            %get3A_310 = arith.index_cast %get3A_309 : i32 to index
            %get3A_311 = arith.index_cast %multiple_of3A_289 : i32 to index
            %get3A_312 = tpu.vector_load %arg9[%get3A_310, %get3A_311] {strides = array<i32>} : memref<5x1024xf32, #tpu.memory_space<vmem>>, vector<1x16xf32>,
            %get3A_313 = vector.shape_cast %get3A_312 : vector<1x16xf32> to vector<16xf32>
            %max3A_314 = arith.maximumf %gather3A_99, %get3A_313 : vector<16xf32>
            %get3A_315 = arith.constant 1 : i32
            %get3A_316 = arith.index_cast %get3A_315 : i32 to index
            %get3A_317 = arith.index_cast %multiple_of3A_296 : i32 to index
            %get3A_318 = tpu.vector_load %arg9[%get3A_316, %get3A_317] {strides = array<i32>} : memref<5x1024xf32, #tpu.memory_space<vmem>>, vector<1x16xf32>,
            %get3A_319 = vector.shape_cast %get3A_318 : vector<1x16xf32> to vector<16xf32>
            %max3A_320 = arith.maximumf %gather3A_99, %get3A_319 : vector<16xf32>
            %get3A_321 = arith.constant 2 : i32
            %get3A_322 = arith.index_cast %get3A_321 : i32 to index
            %get3A_323 = arith.index_cast %multiple_of3A_289 : i32 to index
            %get3A_324 = tpu.vector_load %arg9[%get3A_322, %get3A_323] {strides = array<i32>} : memref<5x1024xf32, #tpu.memory_space<vmem>>, vector<1x16xf32>,
            %get3A_325 = vector.shape_cast %get3A_324 : vector<1x16xf32> to vector<16xf32>
            %min3A = arith.minimumf %gather3A_107, %get3A_325 : vector<16xf32>
            %get3A_326 = arith.constant 2 : i32
            %get3A_327 = arith.index_cast %get3A_326 : i32 to index
            %get3A_328 = arith.index_cast %multiple_of3A_296 : i32 to index
            %get3A_329 = tpu.vector_load %arg9[%get3A_327, %get3A_328] {strides = array<i32>} : memref<5x1024xf32, #tpu.memory_space<vmem>>, vector<1x16xf32>,
            %get3A_330 = vector.shape_cast %get3A_329 : vector<1x16xf32> to vector<16xf32>
            %min3A_331 = arith.minimumf %gather3A_107, %get3A_330 : vector<16xf32>
            %get3A_332 = arith.constant 3 : i32
            %get3A_333 = arith.index_cast %get3A_332 : i32 to index
            %get3A_334 = arith.index_cast %multiple_of3A_289 : i32 to index
            %get3A_335 = tpu.vector_load %arg9[%get3A_333, %get3A_334] {strides = array<i32>} : memref<5x1024xf32, #tpu.memory_space<vmem>>, vector<1x16xf32>,
            %get3A_336 = vector.shape_cast %get3A_335 : vector<1x16xf32> to vector<16xf32>
            %min3A_337 = arith.minimumf %gather3A_115, %get3A_336 : vector<16xf32>
            %get3A_338 = arith.constant 3 : i32
            %get3A_339 = arith.index_cast %get3A_338 : i32 to index
            %get3A_340 = arith.index_cast %multiple_of3A_296 : i32 to index
            %get3A_341 = tpu.vector_load %arg9[%get3A_339, %get3A_340] {strides = array<i32>} : memref<5x1024xf32, #tpu.memory_space<vmem>>, vector<1x16xf32>,
            %get3A_342 = vector.shape_cast %get3A_341 : vector<1x16xf32> to vector<16xf32>
            %min3A_343 = arith.minimumf %gather3A_115, %get3A_342 : vector<16xf32>
            %sub3A_344 = arith.subf %min3A, %max3A_302 : vector<16xf32>
            %max3A_345 = arith.constant 0.000000e+00 : f32
            %max3A_346 = vector.broadcast %max3A_345 : f32 to vector<16xf32>
            %max3A_347 = arith.maximumf %sub3A_344, %max3A_346 : vector<16xf32>
            %sub3A_348 = arith.subf %min3A_337, %max3A_314 : vector<16xf32>
            %max3A_349 = arith.constant 0.000000e+00 : f32
            %max3A_350 = vector.broadcast %max3A_349 : f32 to vector<16xf32>
            %max3A_351 = arith.maximumf %sub3A_348, %max3A_350 : vector<16xf32>
            %mul3A_352 = arith.mulf %max3A_347, %max3A_351 : vector<16xf32>
            %sub3A_353 = arith.subf %min3A_331, %max3A_308 : vector<16xf32>
            %max3A_354 = arith.constant 0.000000e+00 : f32
            %max3A_355 = vector.broadcast %max3A_354 : f32 to vector<16xf32>
            %max3A_356 = arith.maximumf %sub3A_353, %max3A_355 : vector<16xf32>
            %sub3A_357 = arith.subf %min3A_343, %max3A_320 : vector<16xf32>
            %max3A_358 = arith.constant 0.000000e+00 : f32
            %max3A_359 = vector.broadcast %max3A_358 : f32 to vector<16xf32>
            %max3A_360 = arith.maximumf %sub3A_357, %max3A_359 : vector<16xf32>
            %mul3A_361 = arith.mulf %max3A_356, %max3A_360 : vector<16xf32>
            %get3A_362 = arith.constant 4 : i32
            %get3A_363 = arith.index_cast %get3A_362 : i32 to index
            %get3A_364 = arith.index_cast %multiple_of3A_289 : i32 to index
            %get3A_365 = tpu.vector_load %arg9[%get3A_363, %get3A_364] {strides = array<i32>} : memref<5x1024xf32, #tpu.memory_space<vmem>>, vector<1x16xf32>,
            %get3A_366 = vector.shape_cast %get3A_365 : vector<1x16xf32> to vector<16xf32>
            %add3A_367 = arith.addf %gather3A_123, %get3A_366 : vector<16xf32>
            %sub3A_368 = arith.subf %add3A_367, %mul3A_352 : vector<16xf32>
            %add3A_369 = arith.constant 9.99999993E-9 : f32
            %add3A_370 = vector.broadcast %add3A_369 : f32 to vector<16xf32>
            %add3A_371 = arith.addf %sub3A_368, %add3A_370 : vector<16xf32>
            %div3A_372 = arith.divf %mul3A_352, %add3A_371 : vector<16xf32>
            %get3A_373 = arith.constant 4 : i32
            %get3A_374 = arith.index_cast %get3A_373 : i32 to index
            %get3A_375 = arith.index_cast %multiple_of3A_296 : i32 to index
            %get3A_376 = tpu.vector_load %arg9[%get3A_374, %get3A_375] {strides = array<i32>} : memref<5x1024xf32, #tpu.memory_space<vmem>>, vector<1x16xf32>,
            %get3A_377 = vector.shape_cast %get3A_376 : vector<1x16xf32> to vector<16xf32>
            %add3A_378 = arith.addf %gather3A_123, %get3A_377 : vector<16xf32>
            %sub3A_379 = arith.subf %add3A_378, %mul3A_361 : vector<16xf32>
            %add3A_380 = arith.constant 9.99999993E-9 : f32
            %add3A_381 = vector.broadcast %add3A_380 : f32 to vector<16xf32>
            %add3A_382 = arith.addf %sub3A_379, %add3A_381 : vector<16xf32>
            %div3A_383 = arith.divf %mul3A_361, %add3A_382 : vector<16xf32>
            %max3A_384 = arith.maximumf %while3A_283, %div3A_372 : vector<16xf32>
            %max3A_385 = arith.maximumf %while3A_284, %div3A_383 : vector<16xf32>
            scf.yield %max3A_384, %max3A_385 : vector<16xf32>, vector<16xf32>
          }
          %max3A = arith.maximumf %while3A_140#0, %while3A_140#1 : vector<16xf32>
          %xor3A = arith.constant 8 : i32
          %xor3A_141 = vector.broadcast %xor3A : i32 to vector<16xi32>
          %xor3A_142 = arith.xori %iota3A, %xor3A_141 : vector<16xi32>
          %broadcast_in_dim3A_143 = vector.shape_cast %xor3A_142 : vector<16xi32> to vector<16x1xi32>
          %gather3A_144 = vector.shape_cast %broadcast_in_dim3A_143 : vector<16x1xi32> to vector<16xi32>
          %gather3A_145 = tpu.dynamic_gather %max3A[%gather3A_144] in [0] : vector<16xf32>, vector<16xi32> -> vector<16xf32>
          %max3A_146 = arith.maximumf %max3A, %gather3A_145 : vector<16xf32>
          %xor3A_147 = arith.constant 4 : i32
          %xor3A_148 = vector.broadcast %xor3A_147 : i32 to vector<16xi32>
          %xor3A_149 = arith.xori %iota3A, %xor3A_148 : vector<16xi32>
          %broadcast_in_dim3A_150 = vector.shape_cast %xor3A_149 : vector<16xi32> to vector<16x1xi32>
          %gather3A_151 = vector.shape_cast %broadcast_in_dim3A_150 : vector<16x1xi32> to vector<16xi32>
          %gather3A_152 = tpu.dynamic_gather %max3A_146[%gather3A_151] in [0] : vector<16xf32>, vector<16xi32> -> vector<16xf32>
          %max3A_153 = arith.maximumf %max3A_146, %gather3A_152 : vector<16xf32>
          %xor3A_154 = arith.constant 2 : i32
          %xor3A_155 = vector.broadcast %xor3A_154 : i32 to vector<16xi32>
          %xor3A_156 = arith.xori %iota3A, %xor3A_155 : vector<16xi32>
          %broadcast_in_dim3A_157 = vector.shape_cast %xor3A_156 : vector<16xi32> to vector<16x1xi32>
          %gather3A_158 = vector.shape_cast %broadcast_in_dim3A_157 : vector<16x1xi32> to vector<16xi32>
          %gather3A_159 = tpu.dynamic_gather %max3A_153[%gather3A_158] in [0] : vector<16xf32>, vector<16xi32> -> vector<16xf32>
          %max3A_160 = arith.maximumf %max3A_153, %gather3A_159 : vector<16xf32>
          %xor3A_161 = arith.constant 1 : i32
          %xor3A_162 = vector.broadcast %xor3A_161 : i32 to vector<16xi32>
          %xor3A_163 = arith.xori %iota3A, %xor3A_162 : vector<16xi32>
          %broadcast_in_dim3A_164 = vector.shape_cast %xor3A_163 : vector<16xi32> to vector<16x1xi32>
          %gather3A_165 = vector.shape_cast %broadcast_in_dim3A_164 : vector<16x1xi32> to vector<16xi32>
          %gather3A_166 = tpu.dynamic_gather %max3A_160[%gather3A_165] in [0] : vector<16xf32>, vector<16xi32> -> vector<16xf32>
          %max3A_167 = arith.maximumf %max3A_160, %gather3A_166 : vector<16xf32>
          %slice3A = vector.extract_strided_slice %max3A_167 {offsets = [0], sizes = [1], strides = [1]} : vector<16xf32> to vector<1xf32>
          %squeeze3A = vector.extract %slice3A[0] : f32 from vector<1xf32>
          %le3A = arith.constant 0.699999988 : f32
          %le3A_168 = arith.cmpf ole, %squeeze3A, %le3A : f32
          %and3A_169 = arith.constant 15 : i32
          %and3A_170 = arith.andi %get3A_126, %and3A_169 : i32
          %jit3A_171 = arith.constant 16 : i32
          %select_n3A_172 = arith.select %le3A_168, %and3A_170, %jit3A_171 : i32
          %shift_right_arithmetic3A_173 = arith.constant 4 : i32
          %shift_right_arithmetic3A_174 = arith.shrsi %get3A_126, %shift_right_arithmetic3A_173 : i32
          %mul3A_175 = arith.constant 16 : i32
          %mul3A_176 = arith.muli %shift_right_arithmetic3A_174, %mul3A_175 : i32
          %multiple_of3A_177 = tpu.assume_multiple %mul3A_176, 16 : i32
          %eq3A_178 = vector.broadcast %select_n3A_172 : i32 to vector<16xi32>
          %eq3A_179 = arith.cmpi eq, %iota3A, %eq3A_178 : vector<16xi32>
          %get3A_180 = arith.constant 0 : i32
          %get3A_181 = arith.index_cast %get3A_180 : i32 to index
          %get3A_182 = arith.index_cast %multiple_of3A_177 : i32 to index
          %get3A_183 = tpu.vector_load %arg9[%get3A_181, %get3A_182] {strides = array<i32>} : memref<5x1024xf32, #tpu.memory_space<vmem>>, vector<1x16xf32>,
          %get3A_184 = vector.shape_cast %get3A_183 : vector<1x16xf32> to vector<16xf32>
          %select_n3A_185 = arith.select %eq3A_179, %gather3A_91, %get3A_184 : vector<16xi1>, vector<16xf32>
          %swap3A_186 = arith.constant 0 : i32
          %swap3A_187 = arith.index_cast %swap3A_186 : i32 to index
          %swap3A_188 = arith.index_cast %multiple_of3A_177 : i32 to index
          %swap3A_189 = tpu.vector_load %arg9[%swap3A_187, %swap3A_188] {strides = array<i32>} : memref<5x1024xf32, #tpu.memory_space<vmem>>, vector<1x16xf32>,
          %swap3A_190 = vector.shape_cast %swap3A_189 : vector<1x16xf32> to vector<16xf32>
          %swap3A_191 = vector.shape_cast %select_n3A_185 : vector<16xf32> to vector<1x16xf32>
          tpu.vector_store %arg9[%swap3A_187, %swap3A_188], %swap3A_191 {strides = array<i32>} : memref<5x1024xf32, #tpu.memory_space<vmem>>, vector<1x16xf32>,
          %get3A_192 = arith.constant 1 : i32
          %get3A_193 = arith.index_cast %get3A_192 : i32 to index
          %get3A_194 = arith.index_cast %multiple_of3A_177 : i32 to index
          %get3A_195 = tpu.vector_load %arg9[%get3A_193, %get3A_194] {strides = array<i32>} : memref<5x1024xf32, #tpu.memory_space<vmem>>, vector<1x16xf32>,
          %get3A_196 = vector.shape_cast %get3A_195 : vector<1x16xf32> to vector<16xf32>
          %select_n3A_197 = arith.select %eq3A_179, %gather3A_99, %get3A_196 : vector<16xi1>, vector<16xf32>
          %swap3A_198 = arith.constant 1 : i32
          %swap3A_199 = arith.index_cast %swap3A_198 : i32 to index
          %swap3A_200 = arith.index_cast %multiple_of3A_177 : i32 to index
          %swap3A_201 = tpu.vector_load %arg9[%swap3A_199, %swap3A_200] {strides = array<i32>} : memref<5x1024xf32, #tpu.memory_space<vmem>>, vector<1x16xf32>,
          %swap3A_202 = vector.shape_cast %swap3A_201 : vector<1x16xf32> to vector<16xf32>
          %swap3A_203 = vector.shape_cast %select_n3A_197 : vector<16xf32> to vector<1x16xf32>
          tpu.vector_store %arg9[%swap3A_199, %swap3A_200], %swap3A_203 {strides = array<i32>} : memref<5x1024xf32, #tpu.memory_space<vmem>>, vector<1x16xf32>,
          %get3A_204 = arith.constant 2 : i32
          %get3A_205 = arith.index_cast %get3A_204 : i32 to index
          %get3A_206 = arith.index_cast %multiple_of3A_177 : i32 to index
          %get3A_207 = tpu.vector_load %arg9[%get3A_205, %get3A_206] {strides = array<i32>} : memref<5x1024xf32, #tpu.memory_space<vmem>>, vector<1x16xf32>,
          %get3A_208 = vector.shape_cast %get3A_207 : vector<1x16xf32> to vector<16xf32>
          %select_n3A_209 = arith.select %eq3A_179, %gather3A_107, %get3A_208 : vector<16xi1>, vector<16xf32>
          %swap3A_210 = arith.constant 2 : i32
          %swap3A_211 = arith.index_cast %swap3A_210 : i32 to index
          %swap3A_212 = arith.index_cast %multiple_of3A_177 : i32 to index
          %swap3A_213 = tpu.vector_load %arg9[%swap3A_211, %swap3A_212] {strides = array<i32>} : memref<5x1024xf32, #tpu.memory_space<vmem>>, vector<1x16xf32>,
          %swap3A_214 = vector.shape_cast %swap3A_213 : vector<1x16xf32> to vector<16xf32>
          %swap3A_215 = vector.shape_cast %select_n3A_209 : vector<16xf32> to vector<1x16xf32>
          tpu.vector_store %arg9[%swap3A_211, %swap3A_212], %swap3A_215 {strides = array<i32>} : memref<5x1024xf32, #tpu.memory_space<vmem>>, vector<1x16xf32>,
          %get3A_216 = arith.constant 3 : i32
          %get3A_217 = arith.index_cast %get3A_216 : i32 to index
          %get3A_218 = arith.index_cast %multiple_of3A_177 : i32 to index
          %get3A_219 = tpu.vector_load %arg9[%get3A_217, %get3A_218] {strides = array<i32>} : memref<5x1024xf32, #tpu.memory_space<vmem>>, vector<1x16xf32>,
          %get3A_220 = vector.shape_cast %get3A_219 : vector<1x16xf32> to vector<16xf32>
          %select_n3A_221 = arith.select %eq3A_179, %gather3A_115, %get3A_220 : vector<16xi1>, vector<16xf32>
          %swap3A_222 = arith.constant 3 : i32
          %swap3A_223 = arith.index_cast %swap3A_222 : i32 to index
          %swap3A_224 = arith.index_cast %multiple_of3A_177 : i32 to index
          %swap3A_225 = tpu.vector_load %arg9[%swap3A_223, %swap3A_224] {strides = array<i32>} : memref<5x1024xf32, #tpu.memory_space<vmem>>, vector<1x16xf32>,
          %swap3A_226 = vector.shape_cast %swap3A_225 : vector<1x16xf32> to vector<16xf32>
          %swap3A_227 = vector.shape_cast %select_n3A_221 : vector<16xf32> to vector<1x16xf32>
          tpu.vector_store %arg9[%swap3A_223, %swap3A_224], %swap3A_227 {strides = array<i32>} : memref<5x1024xf32, #tpu.memory_space<vmem>>, vector<1x16xf32>,
          %get3A_228 = arith.constant 4 : i32
          %get3A_229 = arith.index_cast %get3A_228 : i32 to index
          %get3A_230 = arith.index_cast %multiple_of3A_177 : i32 to index
          %get3A_231 = tpu.vector_load %arg9[%get3A_229, %get3A_230] {strides = array<i32>} : memref<5x1024xf32, #tpu.memory_space<vmem>>, vector<1x16xf32>,
          %get3A_232 = vector.shape_cast %get3A_231 : vector<1x16xf32> to vector<16xf32>
          %select_n3A_233 = arith.select %eq3A_179, %gather3A_123, %get3A_232 : vector<16xi1>, vector<16xf32>
          %swap3A_234 = arith.constant 4 : i32
          %swap3A_235 = arith.index_cast %swap3A_234 : i32 to index
          %swap3A_236 = arith.index_cast %multiple_of3A_177 : i32 to index
          %swap3A_237 = tpu.vector_load %arg9[%swap3A_235, %swap3A_236] {strides = array<i32>} : memref<5x1024xf32, #tpu.memory_space<vmem>>, vector<1x16xf32>,
          %swap3A_238 = vector.shape_cast %swap3A_237 : vector<1x16xf32> to vector<16xf32>
          %swap3A_239 = vector.shape_cast %select_n3A_233 : vector<16xf32> to vector<1x16xf32>
          tpu.vector_store %arg9[%swap3A_235, %swap3A_236], %swap3A_239 {strides = array<i32>} : memref<5x1024xf32, #tpu.memory_space<vmem>>, vector<1x16xf32>,
          %mul3A_240 = arith.constant 4 : i32
          %mul3A_241 = arith.muli %get3A_126, %mul3A_240 : i32
          %and3A_242 = arith.constant 15 : i32
          %and3A_243 = arith.andi %mul3A_241, %and3A_242 : i32
          %jit3A_244 = arith.constant 32 : i32
          %select_n3A_245 = arith.select %le3A_168, %and3A_243, %jit3A_244 : i32
          %shift_right_arithmetic3A_246 = arith.constant 4 : i32
          %shift_right_arithmetic3A_247 = arith.shrsi %mul3A_241, %shift_right_arithmetic3A_246 : i32
          %mul3A_248 = arith.constant 16 : i32
          %mul3A_249 = arith.muli %shift_right_arithmetic3A_247, %mul3A_248 : i32
          %multiple_of3A_250 = tpu.assume_multiple %mul3A_249, 16 : i32
          %get3A_251 = arith.index_cast %multiple_of3A_250 : i32 to index
          %get3A_252 = tpu.vector_load %arg10[%get3A_251] {strides = array<i32>} : memref<4000xf32, #tpu.memory_space<vmem>>, vector<16xf32>,
          %get3A_253 = vector.shape_cast %get3A_252 : vector<16xf32> to vector<16xf32>
          %eq3A_254 = vector.broadcast %select_n3A_245 : i32 to vector<16xi32>
          %eq3A_255 = arith.cmpi eq, %iota3A, %eq3A_254 : vector<16xi32>
          %select_n3A_256 = arith.select %eq3A_255, %gather3A_91, %get3A_253 : vector<16xi1>, vector<16xf32>
          %add3A_257 = arith.constant 1 : i32
          %add3A_258 = arith.addi %select_n3A_245, %add3A_257 : i32
          %eq3A_259 = vector.broadcast %add3A_258 : i32 to vector<16xi32>
          %eq3A_260 = arith.cmpi eq, %iota3A, %eq3A_259 : vector<16xi32>
          %select_n3A_261 = arith.select %eq3A_260, %gather3A_99, %select_n3A_256 : vector<16xi1>, vector<16xf32>
          %add3A_262 = arith.constant 2 : i32
          %add3A_263 = arith.addi %select_n3A_245, %add3A_262 : i32
          %eq3A_264 = vector.broadcast %add3A_263 : i32 to vector<16xi32>
          %eq3A_265 = arith.cmpi eq, %iota3A, %eq3A_264 : vector<16xi32>
          %select_n3A_266 = arith.select %eq3A_265, %gather3A_107, %select_n3A_261 : vector<16xi1>, vector<16xf32>
          %add3A_267 = arith.constant 3 : i32
          %add3A_268 = arith.addi %select_n3A_245, %add3A_267 : i32
          %eq3A_269 = vector.broadcast %add3A_268 : i32 to vector<16xi32>
          %eq3A_270 = arith.cmpi eq, %iota3A, %eq3A_269 : vector<16xi32>
          %select_n3A_271 = arith.select %eq3A_270, %gather3A_115, %select_n3A_266 : vector<16xi1>, vector<16xf32>
          %swap3A_272 = arith.index_cast %multiple_of3A_250 : i32 to index
          %swap3A_273 = tpu.vector_load %arg10[%swap3A_272] {strides = array<i32>} : memref<4000xf32, #tpu.memory_space<vmem>>, vector<16xf32>,
          %swap3A_274 = vector.shape_cast %swap3A_273 : vector<16xf32> to vector<16xf32>
          %swap3A_275 = vector.shape_cast %select_n3A_271 : vector<16xf32> to vector<16xf32>
          tpu.vector_store %arg10[%swap3A_272], %swap3A_275 {strides = array<i32>} : memref<4000xf32, #tpu.memory_space<vmem>>, vector<16xf32>,
          %add3A_276 = arith.constant 1 : i32
          %add3A_277 = arith.addi %get3A_126, %add3A_276 : i32
          %select_n3A_278 = arith.select %le3A_168, %add3A_277, %get3A_126 : i32
          %swap3A_279 = arith.constant 0 : i32
          %swap3A_280 = arith.index_cast %swap3A_279 : i32 to index
          %swap3A_281 = memref.load %arg11[%swap3A_280] : memref<1xi32, #tpu.memory_space<smem>>
          memref.store %select_n3A_278, %arg11[%swap3A_280] : memref<1xi32, #tpu.memory_space<smem>>
        } else {
        }
      }
      %scan3A_66 = arith.constant 6000 : i32
      "tpu.region"() ({
        %run_scoped3A = tpu.sem_alloc : memref<!tpu.dma_semaphore, #tpu.memory_space<semaphore_mem>>
        %dma_start3A = arith.constant 0 : i32
        %dma_start3A_67 = tpu.memref_slice %arg4[%add3A, %dma_start3A] : memref<4x4000xf32, #tpu.memory_space<hbm>> -> memref<1x4000xf32, #tpu.memory_space<hbm>>
        %dma_start3A_68 = tpu.memref_squeeze %dma_start3A_67 : memref<1x4000xf32, #tpu.memory_space<hbm>> -> memref<4000xf32, #tpu.memory_space<hbm>>
        %dma_start3A_69 = arith.constant 0 : i32
        %dma_start3A_70 = tpu.memref_slice %arg4[%add3A, %dma_start3A_69] : memref<4x4000xf32, #tpu.memory_space<hbm>> -> memref<1x4000xf32, #tpu.memory_space<hbm>>
        %dma_start3A_71 = tpu.memref_squeeze %dma_start3A_70 : memref<1x4000xf32, #tpu.memory_space<hbm>> -> memref<4000xf32, #tpu.memory_space<hbm>>
        tpu.enqueue_dma source(%arg10 : memref<4000xf32, #tpu.memory_space<vmem>>) target(%dma_start3A_71 : memref<4000xf32, #tpu.memory_space<hbm>>) target_semaphore(%run_scoped3A : memref<!tpu.dma_semaphore, #tpu.memory_space<semaphore_mem>>)
        %dma_wait3A = arith.constant 0 : i32
        %dma_wait3A_72 = tpu.memref_slice %arg4[%add3A, %dma_wait3A] : memref<4x4000xf32, #tpu.memory_space<hbm>> -> memref<1x4000xf32, #tpu.memory_space<hbm>>
        %dma_wait3A_73 = tpu.memref_squeeze %dma_wait3A_72 : memref<1x4000xf32, #tpu.memory_space<hbm>> -> memref<4000xf32, #tpu.memory_space<hbm>>
        %dma_wait3A_74 = arith.constant 0 : i32
        %dma_wait3A_75 = tpu.memref_slice %arg4[%add3A, %dma_wait3A_74] : memref<4x4000xf32, #tpu.memory_space<hbm>> -> memref<1x4000xf32, #tpu.memory_space<hbm>>
        %dma_wait3A_76 = tpu.memref_squeeze %dma_wait3A_75 : memref<1x4000xf32, #tpu.memory_space<hbm>> -> memref<4000xf32, #tpu.memory_space<hbm>>
        tpu.wait_dma2 semaphore(%run_scoped3A : memref<!tpu.dma_semaphore, #tpu.memory_space<semaphore_mem>>) src(%arg10 : memref<4000xf32, #tpu.memory_space<vmem>>) dst(%dma_wait3A_76 : memref<4000xf32, #tpu.memory_space<hbm>>)
        tpu.yield
      }) : () -> ()
    } else {
    }
    return
  }
}

</mosaic_0001>

<sc_bundles>
// kernel: kernel.3.cloned.1.call-start
scs
__scs_entry_jumppad:
0x0: {  	(pc) =	sbr.rel $0x88, $3  }
0x1: {  	(tag) =	ssettag $0x0;
	lr =	simm.s32 $0x1  }
0x2: {  	[smem:$0x3F9E] =	sst lr;
	_ =	strace $0xD0000000  }
0x3: {  	_ = 	snop  }
0x4: {  	_ = 	snop  }
0x5: {  	_ = 	snop  }
0x6: {  	_ = 	snop  }
0x7: {  	_ = 	snop  }
__scs_overlays_trampoline_lowered:
0x8: {  	[smem:$0x3FAD] =	sst s0  }
0x9: {  	[smem:$0x3FAE] =	sst s1  }
0xa: {  	[smem:$0x3FAF] =	sst s2  }
0xb: {  	[smem:$0x3FB0] =	sst s3  }
0xc: {  	[smem:$0x3FB1] =	sst s4  }
0xd: {  	[smem:$0x3FB2] =	sst s5  }
0xe: {  	[smem:$0x3FB3] =	sst s6  }
0xf: {  	[smem:$0x3FB4] =	sst s7  }
0x10: {  	[smem:$0x3FB5] =	sst s8  }
0x11: {  	[smem:$0x3FB6] =	sst s9;
	s0 =	simm.s32 @!p0 $0x0  }
0x12: {  	s1 =	sld [smem:$0x3F9C];
	s0 =	simm.s32 @p0 $0x1  }
0x13: {  	[smem:$0x3FB7] =	sst s0;
	s0 =	simm.s32 @!p1 $0x0  }
0x14: {  	s2 =	sld [smem:$0x3F9B];
	s0 =	simm.s32 @p1 $0x1  }
0x15: {  	[smem:$0x3FB8] =	sst s0;
	s0 =	simm.s32 @!p2 $0x0  }
0x16: {  	s3 =	sld [smem:$0x3FDB];
	s0 =	simm.s32 @p2 $0x1  }
0x17: {  	s4 =	simm.s32 $0x1BF5;
	[smem:$0x3FBA] =	sst s0  }
0x18: {  	s0 =	sld [smem:$0x3F9D];
	_ =	swait.ge [sflag:s4], $0x0  }
0x19: {  	s7 =	sld [smem:$0x3F9E]  }
0x1a: {  	s8 =	sadd.s32 $0xFFFFE003, lr  }
0x1b: {  	s9 =	sadd.s32 $0xFFFFFEF7, lr;
	s5 =	simm.s32 $0xFFFFFFFF;
	p2 =	slt.u32 s8, $0xFFFFF086  }
0x1c: {  	p1 =	slt.u32 s9, $0xF7A;
	s5 =	simm.s32 @!p2 $0x0  }
0x1d: {  	s5 =	simm.s32 @p1 $0x1;
	p0 =	seq.s32 s7, s2  }
0x1e: {  	s7 =	smul.u32 @!p0 $0xF7A, s2;
	p2 =	seq.s32 @!p0 s5, $0x0  }
0x1f: {  	s9 =	smul.u32 $0xF7A, s1;
	s8 =	simm.s32 @!p0 $0x1BF5;
	p2 =	por !p2, p0  }
0x20: {  	[sflag:s8] =	ssyncset.s32 @!p0 $0xFFFFF086;
	s6 =	sadd.s32 @!p0 s3, s7;
	s7 =	simm.s32 @!p0 $0x108  }
0x21: {  	s3 =	sadd.s32 s3, s9;
	s6 =	sadd.s32 @!p0 $0x88, s6;
	s7 =	simm.s32 @p2 $0x1082  }
0x22: {  	[simem:s7], [sflag:s8] =	dma.local @!p0 [hbm:s6], $0xF7A  }
0x23: {  	s9 =	sor.u32 $0xD0000000, s2;
	s6 =	simm.s32 $0x108;
	_ =	swait.ge @!p0 [sflag:s8], $0x0  }
0x24: {  	s3 =	sadd.s32 $0x88, s3;
	s6 =	simm.s32 @!p1 $0x1082;
	[sflag:s4] =	ssyncset.s32 $0xFFFFF086  }
0x25: {  	[simem:s6], [sflag:s4] =	dma.local [hbm:s3], $0xF7A  }
0x26: {  	[smem:$0x3F9E] =	sst s1;
	(tag) =	ssettag s2;
	_ =	strace s9  }
0x27: {  	s1 =	sld [smem:$0x3FAE]  }
0x28: {  	s2 =	sld [smem:$0x3FAF]  }
0x29: {  	s4 =	sld [smem:$0x3FB1]  }
0x2a: {  	p0 =	seq.s32 s5, $0x0;
	s5 =	sld [smem:$0x3FB2]  }
0x2b: {  	s6 =	sld [smem:$0x3FB3]  }
0x2c: {  	s7 =	sld [smem:$0x3FB4]  }
0x2d: {  	s3 =	simm.s32 $0x108;
	s8 =	sld [smem:$0x3FB5]  }
0x2e: {  	s3 =	simm.s32 @!p0 $0x1082;
	s9 =	sld [smem:$0x3FB6]  }
0x2f: {  	lr =	sadd.s32 s0, s3;
	s0 =	sld [smem:$0x3FAD]  }
0x30: {  	s3 =	sld [smem:$0x3FB0]  }
0x31: {  	[smem:$0x3FB9] =	sst s10  }
0x32: {  	s10 =	sld [smem:$0x3FB7];
	_ =	sdelay $0x3  }
0x33: {  	p0 =	seq.s32 s10, $0x1;
	s10 =	sld [smem:$0x3FB9];
	_ =	sdelay $0x3  }
0x34: {  	[smem:$0x3FB9] =	sst s10  }
0x35: {  	s10 =	sld [smem:$0x3FB8];
	_ =	sdelay $0x3  }
0x36: {  	p1 =	seq.s32 s10, $0x1;
	s10 =	sld [smem:$0x3FB9];
	_ =	sdelay $0x3  }
0x37: {  	[smem:$0x3FB9] =	sst s10  }
0x38: {  	s10 =	sld [smem:$0x3FBA]  }
0x39: {  	_ = 	snop;
	(pc) =	sbr.ind lr, $3  }
0x3a: {  	_ = 	snop  }
0x3b: {  	_ = 	snop  }
0x3c: {  	p2 =	seq.s32 s10, $0x1;
	s10 =	sld [smem:$0x3FB9]  }
0x3d: {  	_ =	shalt  }
0x3e: {  	_ =	shalt  }
0x3f: {  	_ =	shalt  }
0x40: {  	_ =	shalt  }
0x41: {  	_ =	shalt  }
0x42: {  	_ =	shalt  }
0x43: {  	_ =	shalt  }
0x44: {  	_ =	shalt  }
0x45: {  	_ =	shalt  }
0x46: {  	_ =	shalt  }
0x47: {  	_ =	shalt  }
0x48: {  	_ =	shalt  }
0x49: {  	_ =	shalt  }
0x4a: {  	_ =	shalt  }
0x4b: {  	_ =	shalt  }
0x4c: {  	_ =	shalt  }
0x4d: {  	_ =	shalt  }
0x4e: {  	_ =	shalt  }
0x4f: {  	_ =	shalt  }
0x50: {  	_ =	shalt  }
0x51: {  	_ =	shalt  }
0x52: {  	_ =	shalt  }
0x53: {  	_ =	shalt  }
0x54: {  	_ =	shalt  }
0x55: {  	_ =	shalt  }
0x56: {  	_ =	shalt  }
0x57: {  	_ =	shalt  }
0x58: {  	_ =	shalt  }
0x59: {  	_ =	shalt  }
0x5a: {  	_ =	shalt  }
0x5b: {  	_ =	shalt  }
0x5c: {  	_ =	shalt  }
0x5d: {  	_ =	shalt  }
0x5e: {  	_ =	shalt  }
0x5f: {  	_ =	shalt  }
0x60: {  	_ =	shalt  }
0x61: {  	_ =	shalt  }
0x62: {  	_ =	shalt  }
0x63: {  	_ =	shalt  }
0x64: {  	_ =	shalt  }
0x65: {  	_ =	shalt  }
0x66: {  	_ =	shalt  }
0x67: {  	_ =	shalt  }
0x68: {  	_ =	shalt  }
0x69: {  	_ =	shalt  }
0x6a: {  	_ =	shalt  }
0x6b: {  	_ =	shalt  }
0x6c: {  	_ =	shalt  }
0x6d: {  	_ =	shalt  }
0x6e: {  	_ =	shalt  }
0x6f: {  	_ =	shalt  }
0x70: {  	_ =	shalt  }
0x71: {  	_ =	shalt  }
0x72: {  	_ =	shalt  }
0x73: {  	_ =	shalt  }
0x74: {  	_ =	shalt  }
0x75: {  	_ =	shalt  }
0x76: {  	_ =	shalt  }
0x77: {  	_ =	shalt  }
0x78: {  	_ =	shalt  }
0x79: {  	_ =	shalt  }
0x7a: {  	_ =	shalt  }
0x7b: {  	_ =	shalt  }
0x7c: {  	_ =	shalt  }
0x7d: {  	_ =	shalt  }
0x7e: {  	_ =	shalt  }
0x7f: {  	_ =	shalt  }
0x80: {  	_ =	shalt  }
0x81: {  	_ =	shalt  }
0x82: {  	_ =	shalt  }
0x83: {  	_ =	shalt  }
0x84: {  	_ =	shalt  }
0x85: {  	_ =	shalt  }
0x86: {  	_ =	shalt  }
0x87: {  	_ =	shalt  }
.Lfunc_end0:
.L_simem_size_0:
called_computation_lowered:
.L_overlay_start_0:
0x88: {  	s2 =	sld [smem:$0x3FD9]  }
0x89: {  	s3 =	sld [smem:$0x3FFE];
	_ =	sdelay $0x1  }
0x8a: {  	s1 =	srdreg.scid  }
0x8b: {  	s0 =	sand.u32 $0x1, s1  }
0x8c: {  	s17 =	sshll.u32 s0, $0xA;
	s2 =	sadd.s32 s3, s2  }
0x8d: {  	s2 =	sadd.s32 s2, s17  }
0x8e: {  	[smem:$0x3FC5] =	sst s2  }
0x8f: {  	_ = 	snop  }
0x90: {  	s2 =	sld [smem:$0x3FD0];
	(tm) =	ssettm $0x1  }
0x91: {  	s18 =	sld [smem:$0x3FFB];
	_ =	sdelay $0x3  }
0x92: {  	_ =	strace s18  }
0x93: {  	s3 =	sld [smem:$0x3FFC];
	_ =	sdelay $0x3  }
0x94: {  	_ =	strace s3  }
0x95: {  	s3 =	sld [smem:$0x3FFD];
	_ =	sdelay $0x3  }
0x96: {  	_ =	strace s3  }
0x97: {  	_ =	strace $0x8FFFFFFF  }
0x98: {  	s19 =	sld [smem:$0x3FDB];
	_ =	sdelay $0x1  }
0x99: {  	s4 =	simm.s32 $_scs_section_size  }
0x9a: {  	s5 =	simm.s32 $_size__tile_overlayer_lowered;
	s6 =	simm.s32 $_tile_overlayer_lowered  }
0x9b: {  	s22 =	simm.s32 $0x1BFF;
	s21 =	sshll.u32 s6, $0x1;
	s3 =	sadd.s32 s4, s19  }
0x9c: {  	s7 =	simm.s32 $0x0;
	s20 =	sshll.u32 s5, $0x1;
	s5 =	sadd.s32 s21, s3  }
0x9d: {  	[timem:s7], [sflag:s22] =	dma.local [hbm:s5], s20  }
0x9e: {  	_ =	swait.ge [sflag:s22], s20  }
0x9f: {  	s4 =	ssub.s32 $0x0, s20;
	[sflag:s22] =	ssyncset.done $0x0  }
0xa0: {  	[sflag:s22] =	ssyncadd.s32 s4;
	_ =	sdelay $0x1  }
0xa1: {  	s23 =	simm.s32 $0x1B8B  }
0xa2: {  	_ =	swait.ge [sflag:s23], $0x1  }
0xa3: {  	[sflag:s23] =	ssyncset.done $0x0  }
0xa4: {  	s25 =	simm.s32 $0x1B8E;
	s24 =	sld [smem:$0x3FFE];
	[sflag:s23] =	ssyncadd.s32 $0xFFFFFFFF  }
0xa5: {  	s26 =	simm.s32 $execute0_lowered;
	[smem:$0x3FD2] =	sst s25  }
0xa6: {  	s5 =	sshll.u32 s26, $0x1;
	_ =	strace $0x80000046;
	[dreg:$0x1] =	wrdreg $0xFFFFFFFF  }
0xa7: {  	s28 =	simm.s32 $_size_execute0_lowered;
	s3 =	sadd.s32 s3, s5;
	[dreg:$0x0] =	wrdreg $0x0  }
0xa8: {  	s5 =	sshll.u32 s28, $0x1;
	[dreg:$0x2] =	wrdreg s3  }
0xa9: {  	[dreg:$0x3] =	wrdreg s5  }
0xaa: {  	[dreg:$0x4] =	wrdreg $0xC0  }
0xab: {  	_ =	task [dreg:s7], $0x5FFFF  }
0xac: {  	[dreg:$0x1] =	wrdreg $0xFFFFFFFF  }
0xad: {  	[dreg:$0x0] =	wrdreg $0x60  }
0xae: {  	[dreg:$0x2] =	wrdreg s24  }
0xaf: {  	[dreg:$0x3] =	wrdreg s2  }
0xb0: {  	[dreg:$0x4] =	wrdreg $0x169800  }
0xb1: {  	[dreg:$0x5] =	wrdreg $0x9  }
0xb2: {  	_ =	task.clear_ibuf [dreg:s7], $0x6FFFF;
	_ =	strace $0x90000046  }
0xb3: {  	s29 =	simm.s32 $0x9;
	_ =	strace $0x80000048  }
0xb4: {  	_ =	swait.ge [sflag:s29], $0x1  }
0xb5: {  	[sflag:s29] =	ssyncadd.s32 $0xFFFFFFFF  }
0xb6: {  	_ =	strace $0x90000048  }
0xb7: {  	_ =	sfence  }
0xb8: {  	s30 =	sld [smem:$0x0];
	_ =	sdelay $0x2  }
0xb9: {  	s31 =	sshll.u32 s1, $0xD;
	s1 =	sshrl.u32 s1, $0x2  }
0xba: {  	s3 =	sand.u32 $0x4000, s31;
	s1 =	sadd.s32 s1, s30  }
0xbb: {  	s0 =	sor.u32 s3, s0;
	s1 =	sshll.u32 s1, $0x11  }
0xbc: {  	s0 =	sor.u32 s1, s0  }
0xbd: {  	s0 =	sadd.s32 $0x8F2B, s0  }
0xbe: {  	[sflag:s0] =	ssyncadd.remote.s32 $0x1  }
0xbf: {  	_ =	sfence.sel $0xFFFF  }
0xc0: {  	[dreg:$0x0] =	wrdreg $0xFFFFFFFF;
	(pc) =	sbr.abs _section_cstart, $3  }
0xc1: {  	[dreg:$0x1] =	wrdreg $0xFFFFFFFF  }
0xc2: {  	_ =	task.clear_ibuf [dreg:s7], $0x2FFFF;
	_ =	strace $0x9FFFFFFF  }
0xc3: {  	(tm) =	ssettm $0x7FFFFFFF  }
tec
execute0_lowered:
.L_overlay_start_1:
0x0: {  	(tag) =	ssettag $0x1  }
0x1: {  	vm0 =	vmmov $0x1  }
0x2: {  	vm1 =	vmmov $0x3;
	vm2 =	vmmov $0x7;
	vm3 =	vmmov $0xf;
	s5 =	rddreg [dreg:$0x0]  }
0x3: {  	s1 =	srdreg.scid;
	vm4 =	vmmov $0x1f;
	vm5 =	vmmov $0x3f;
	v0 =	vimm.s32 $0xFEDCBA98;
	s7 =	rddreg [dreg:$0x1]  }
0x4: {  	s0 =	stileid.u32;
	vm6 =	vmmov $0x7f;
	v1 =	vimm.s32 $0x76543210;
	v2 =	vimm.s32 $0xBA98FEDC;
	s8 =	rddreg [dreg:$0x2];
	s2 =	simm.s32 $0x0  }
0x5: {  	v3 =	vimm.s32 $0x32107654;
	vm7 =	vmmov $0xff;
	s13 =	simm.s32 $0x4E80;
	s15 =	simm.s32 $0x7D80;
	s16 =	simm.s32 $0x15980;
	v0 =	vunpack.c.l.s4.s8 v0  }
0x6: {  	s17 =	simm.s32 $0x0;
	s3 =	sand.u32 $0x1, s1;
	s4 =	sshrl.u32 s0, $0x3;
	v1 =	vunpack.c.l.s4.s8 v1;
	v2 =	vunpack.c.l.s4.s8 v2;
	v3 =	vunpack.c.l.s4.s8 v3  }
0x7: {  	vm8 =	vmmov $0x1ff;
	v4 =	vimm.s32 $0xDCFE98BA;
	s14 =	sand.u32 $0x7, s0;
	[smem:$0x7FF] =	sst s2;
	s1 =	sshll.u32 s3, $0x1;
	v0 =	vunpack.c.0.s8.s32 v0  }
0x8: {  	s10 =	sshll.u32 s14, $0x7;
	s3 =	ssub.s32 $0x2, s3;
	p0 =	sne.s32 s14, $0x0;
	v1 =	vunpack.c.0.s8.s32 v1;
	v2 =	vunpack.c.0.s8.s32 v2;
	v3 =	vunpack.c.0.s8.s32 v3  }
0x9: {  	vm9 =	vmmov $0x3ff;
	v5 =	vimm.s32 $0x67452301;
	s14 =	simm.s32 $0x6600;
	s6 =	sor.u32 s4, s1;
	s1 =	rddreg [dreg:$0x3];
	v0 =	vand.u32 $0xF, v0  }
0xa: {  	s4 =	smul.u32 $0x2F000, s4;
	_ =	strace $0x80000047;
	s11 =	sshrl.u32 s3, $0x1;
	v0 =	vcombine.low v0, v1;
	v1 =	vcombine.low v3, v2;
	v3 =	vimm.s32 $0x54761032  }
0xb: {  	s9 =	smul.u32 $0x27400, s6;
	s11 =	ssub.s32 s3, s11;
	s12 =	sshll.u32 s6, $0x4;
	v2 =	vunpack.c.l.s4.s8 v4;
	v4 =	vimm.s32 $0xEFCDAB89;
	v3 =	vunpack.c.l.s4.s8 v3  }
.Ltmp0:
0xc: {  	vm10 =	vmmov $0x7ff;
	v5 =	vunpack.c.l.s4.s8 v5;
	s4 =	sshrl.u32 s4, $0x2;
	s7 =	sadd.s32 s7, s12;
	v4 =	vunpack.c.l.s4.s8 v4;
	(pc) =	sbr.rel .LBB2_1-.Ltmp0, $4  }
0xd: {  	vm11 =	vmmov $0xfff;
	s9 =	sor.u32 s10, s9;
	s3 =	sadd.s32 s4, s8;
	s8 =	smax.u32 s11, $0x1;
	v2 =	vunpack.c.0.s8.s32 v2;
	v3 =	vunpack.c.0.s8.s32 v3  }
0xe: {  	vm12 =	vmmov $0x1fff;
	v5 =	vunpack.c.0.s8.s32 v5;
	s11 =	simm.s32 $0x1;
	s9 =	sshrl.u32 s9, $0x3;
	s6 =	sadd.s32 s10, s3;
	v4 =	vunpack.c.0.s8.s32 v4  }
0xf: {  	vm13 =	vmmov $0x3fff;
	vm14 =	vmmov $0x7fff;
	s10 =	simm.s32 $0x400;
	s9 =	sadd.s32 s9, s5;
	s5 =	sadd.s32 s5, s12;
	v2 =	vcombine.low v3, v2  }
0x10: {  	s12 =	simm.s32 $0x200;
	s4 =	sadd.s32 $0xC00, s9;
	s9 =	simm.s32 $0x80;
	v3 =	vimm.f32 $0.0e+00;
	v4 =	vcombine.low v5, v4;
	v5 =	vlaneseq.u32  }
.LBB2_29:
0x11: {  	[hbm4b:s7+s9] =	stream.strided.scatter [tilespmem:s16], [sflag:$0x1], $0x1000, s12, s9, $0x38;
	[tilespmem:$0x180F0] =	vst v63  }
0x12: {  	_ =	swait.ge [sflag:s11], $0x1000  }
0x13: {  	[sflag:s11] =	ssyncset.done $0x0  }
0x14: {  	[sflag:s11] =	ssyncadd.s32 $0xFFFFF000  }
.LBB2_30:
0x15: {  	s17 =	sadd.s32 $0x1, s17  }
0x16: {  	p1 =	sne.s32 s17, s8  }
.Ltmp1:
0x17: {  	_ = 	snop;
	(pc) =	sbr.rel @!p1 .LBB2_31-.Ltmp1, $1  }
0x18: {  	_ =	sdelay $0x3  }
.LBB2_1:
0x19: {  	[tilespmem:s2], [sflag:$0x1] =	stream.strided.gather [hbm4b:s4+s9], $0x4E80, s10, s9, $0x38;
	[tilespmem:$0x180F0] =	vst v63  }
0x1a: {  	_ =	swait.ge [sflag:s11], $0x4E80  }
0x1b: {  	[sflag:s11] =	ssyncset.done $0x0  }
0x1c: {  	[sflag:s11] =	ssyncadd.s32 $0xFFFFB180  }
0x1d: {  	[tilespmem:s13], [sflag:$0x1] =	stream.strided.gather [hbm4b:s5+s9], $0x1780, s12, s9, $0x38;
	[tilespmem:$0x180F0] =	vst v63  }
0x1e: {  	_ =	swait.ge [sflag:s11], $0x1780  }
0x1f: {  	[sflag:s11] =	ssyncset.done $0x0  }
0x20: {  	s19 =	simm.s32 $0x0;
	[sflag:s11] =	ssyncadd.s32 $0xFFFFE880  }
0x21: {  	v10 =	vld [tilespmem:s19+$0x4E80];
	_ =	sdelay $0x4  }
0x22: {  	(v2sf) =	vpush v10, $0x0  }
0x23: {  	(v2sf) =	vpush v10, $0x1;
	_ =	sdelay $0x2  }
0x24: {  	(v2sf) =	vpush v10, $0x2  }
0x25: {  	(v2sf) =	vpush v10, $0x3  }
0x26: {  	(v2sf) =	vpush v10, $0x4  }
0x27: {  	(v2sf) =	vpush v10, $0x5  }
0x28: {  	(v2sf) =	vpush v10, $0x6  }
0x29: {  	(v2sf) =	vpush v10, $0x7  }
0x2a: {  	(v2sf) =	vpush v10, $0x8  }
0x2b: {  	(v2sf) =	vpush v10, $0x9  }
0x2c: {  	(v2sf) =	vpush v10, $0xA  }
0x2d: {  	(v2sf) =	vpush v10, $0xB  }
0x2e: {  	(v2sf) =	vpush v10, $0xC  }
0x2f: {  	(v2sf) =	vpush v10, $0xD;
	s20 =	spop (v2sf)  }
0x30: {  	s21 =	spop (v2sf);
	(v2sf) =	vpush v10, $0xE  }
0x31: {  	s18 =	simm.s32 $0x10;
	v7 =	vbroadcast v10, $0xF;
	(v2sf) =	vpush v10, $0xF  }
0x32: {  	v6 =	vld [tilespmem:s18+$0x4E80];
	v9 =	vbroadcast v10, $0xD;
	v8 =	vbroadcast v10, $0xE;
	s20 =	sand.u32 $0xFFFFFFF0, s20  }
0x33: {  	v12 =	vbroadcast v10, $0xB;
	v11 =	vbroadcast v10, $0xC;
	v17 =	vld [tilespmem:s20+$0x0];
	s30 =	sand.u32 $0xFFFFFFF0, s21;
	s31 =	spop (v2sf)  }
0x34: {  	v14 =	vbroadcast v10, $0x9;
	v13 =	vbroadcast v10, $0xA;
	v18 =	vld [tilespmem:s30+$0x0];
	s21 =	sand.u32 $0xFFFFFFF0, s31;
	s22 =	spop (v2sf)  }
0x35: {  	v16 =	vbroadcast v10, $0x7;
	v15 =	vbroadcast v10, $0x8;
	s20 =	simm.s32 $0x80;
	v19 =	vld [tilespmem:s21+$0x0];
	s21 =	sand.u32 $0xFFFFFFF0, s22;
	s22 =	spop (v2sf)  }
.LBB2_2:
0x36: {  	p1 =	sne.s32 s20, $0x5D80;
	v20 =	vld [tilespmem:s21+$0x0];
	s21 =	sand.u32 $0xFFFFFFF0, s22;
	v21 =	vbroadcast v10, $0x5;
	v22 =	vbroadcast v10, $0x6;
	s22 =	spop (v2sf)  }
0x37: {  	v23 =	vbroadcast v10, $0x0;
	v24 =	vbroadcast v10, $0x1;
	v25 =	vld [tilespmem:s21+$0x0];
	s21 =	sand.u32 $0xFFFFFFF0, s22;
	s22 =	spop (v2sf)  }
0x38: {  	v26 =	vbroadcast v10, $0x2;
	v27 =	vbroadcast v10, $0x3;
	v28 =	vld [tilespmem:s21+$0x0];
	s21 =	sand.u32 $0xFFFFFFF0, s22;
	s22 =	spop (v2sf)  }
0x39: {  	v17 =	vperm.xlane v17, v23;
	v18 =	vperm.xlane v18, v24;
	v23 =	vld [tilespmem:s21+$0x0];
	s21 =	sand.u32 $0xFFFFFFF0, s22;
	s22 =	spop (v2sf)  }
0x3a: {  	v24 =	vbroadcast v10, $0x4;
	v10 =	vmovc v6;
	(v2sf) =	vpush v6, $0x0;
	v19 =	vperm.xlane v19, v26;
	v26 =	vld [tilespmem:s21+$0x0];
	s21 =	sand.u32 $0xFFFFFFF0, s22;
	s22 =	spop (v2sf)  }
0x3b: {  	(v2sf) =	vpush v10, $0x1;
	v6 =	vsel vm0, v17, v18;
	v17 =	vperm.xlane v20, v27;
	v18 =	vld [tilespmem:s21+$0x0];
	s21 =	sand.u32 $0xFFFFFFF0, s22;
	s22 =	spop (v2sf)  }
0x3c: {  	(v2sf) =	vpush v10, $0x2;
	v6 =	vsel vm1, v6, v19;
	v19 =	vperm.xlane v25, v24;
	v20 =	vld [tilespmem:s21+$0x0];
	s21 =	sand.u32 $0xFFFFFFF0, s22;
	s22 =	spop (v2sf)  }
0x3d: {  	(v2sf) =	vpush v10, $0x3;
	v6 =	vsel vm2, v6, v17;
	v17 =	vperm.xlane v28, v21;
	v21 =	vld [tilespmem:s21+$0x0];
	s21 =	sand.u32 $0xFFFFFFF0, s22;
	s22 =	spop (v2sf)  }
0x3e: {  	(v2sf) =	vpush v10, $0x4;
	v6 =	vsel vm3, v6, v19;
	v19 =	vperm.xlane v23, v22;
	v22 =	vld [tilespmem:s21+$0x0];
	s21 =	sand.u32 $0xFFFFFFF0, s22;
	s22 =	spop (v2sf)  }
0x3f: {  	(v2sf) =	vpush v10, $0x5;
	v6 =	vsel vm4, v6, v17;
	v16 =	vperm.xlane v26, v16;
	v17 =	vld [tilespmem:s21+$0x0];
	s21 =	sand.u32 $0xFFFFFFF0, s22;
	s22 =	spop (v2sf)  }
0x40: {  	(v2sf) =	vpush v10, $0x6;
	v6 =	vsel vm5, v6, v19;
	v15 =	vperm.xlane v18, v15;
	v18 =	vld [tilespmem:s21+$0x0];
	s21 =	sand.u32 $0xFFFFFFF0, s22;
	s22 =	spop (v2sf)  }
0x41: {  	(v2sf) =	vpush v10, $0x7;
	v6 =	vsel vm6, v6, v16;
	v14 =	vperm.xlane v20, v14;
	v16 =	vld [tilespmem:s21+$0x0];
	s21 =	sand.u32 $0xFFFFFFF0, s22  }
0x42: {  	(v2sf) =	vpush v10, $0x8;
	v6 =	vsel vm7, v6, v15;
	v13 =	vperm.xlane v21, v13;
	v15 =	vld [tilespmem:s21+$0x0]  }
0x43: {  	(v2sf) =	vpush v10, $0x9;
	v6 =	vsel vm8, v6, v14;
	v12 =	vperm.xlane v22, v12  }
0x44: {  	(v2sf) =	vpush v10, $0xA;
	v6 =	vsel vm9, v6, v13;
	v11 =	vperm.xlane v17, v11  }
0x45: {  	(v2sf) =	vpush v10, $0xB;
	v6 =	vsel vm10, v6, v12;
	v9 =	vperm.xlane v18, v9  }
0x46: {  	(v2sf) =	vpush v10, $0xC;
	v6 =	vsel vm11, v6, v11;
	v8 =	vperm.xlane v16, v8  }
0x47: {  	(v2sf) =	vpush v10, $0xD;
	v6 =	vsel vm12, v6, v9;
	v9 =	vperm.xlane v15, v7  }
0x48: {  	(v2sf) =	vpush v10, $0xE;
	v6 =	vsel vm13, v6, v8  }
.Ltmp2:
0x49: {  	s21 =	sshra.s32 s20, $0x2;
	v7 =	vbroadcast v10, $0xF;
	s22 =	spop (v2sf);
	(v2sf) =	vpush v10, $0xF;
	v11 =	vsel vm14, v6, v9;
	(pc) =	sbr.rel @p1 .LBB2_2-.Ltmp2, $4  }
0x4a: {  	v8 =	vbroadcast v10, $0xE;
	v9 =	vbroadcast v10, $0xD;
	v6 =	vld [tilespmem:s21+$0x4E80];
	s22 =	sand.u32 $0xFFFFFFF0, s22;
	s23 =	spop (v2sf);
	[tilespmem:s19+$0x6600] =	vst v11;
	s19 =	smov.u32 s18  }
0x4b: {  	v12 =	vbroadcast v10, $0xB;
	v11 =	vbroadcast v10, $0xC;
	s18 =	smov.u32 s21;
	v17 =	vld [tilespmem:s22+$0x0];
	s22 =	sand.u32 $0xFFFFFFF0, s23;
	s23 =	spop (v2sf)  }
0x4c: {  	v14 =	vbroadcast v10, $0x9;
	v13 =	vbroadcast v10, $0xA;
	v18 =	vld [tilespmem:s22+$0x0];
	s21 =	sand.u32 $0xFFFFFFF0, s23;
	s22 =	spop (v2sf)  }
0x4d: {  	s20 =	sadd.s32 $0x40, s20;
	v16 =	vbroadcast v10, $0x7;
	v15 =	vbroadcast v10, $0x8;
	v19 =	vld [tilespmem:s21+$0x0];
	s21 =	sand.u32 $0xFFFFFFF0, s22;
	s22 =	spop (v2sf)  }
0x4e: {  	v20 =	vld [tilespmem:s21+$0x0];
	s20 =	sand.u32 $0xFFFFFFF0, s22;
	v21 =	vbroadcast v10, $0x5;
	v22 =	vbroadcast v10, $0x6;
	s29 =	spop (v2sf)  }
0x4f: {  	v23 =	vbroadcast v10, $0x0;
	v24 =	vbroadcast v10, $0x1;
	v25 =	vld [tilespmem:s20+$0x0];
	s30 =	sand.u32 $0xFFFFFFF0, s29;
	s31 =	spop (v2sf)  }
0x50: {  	v26 =	vbroadcast v10, $0x2;
	v27 =	vbroadcast v10, $0x3;
	v28 =	vld [tilespmem:s30+$0x0];
	s21 =	sand.u32 $0xFFFFFFF0, s31;
	s22 =	spop (v2sf)  }
0x51: {  	v17 =	vperm.xlane v17, v23;
	v18 =	vperm.xlane v18, v24;
	v52 =	vld [tilespmem:s21+$0x0];
	s23 =	sand.u32 $0xFFFFFFF0, s22;
	s24 =	spop (v2sf)  }
0x52: {  	v53 =	vbroadcast v10, $0x4;
	(v2sf) =	vpush v6, $0x0;
	v19 =	vperm.xlane v19, v26;
	v54 =	vld [tilespmem:s23+$0x0];
	s25 =	sand.u32 $0xFFFFFFF0, s24;
	s26 =	spop (v2sf)  }
0x53: {  	(v2sf) =	vpush v6, $0x1;
	v17 =	vsel vm0, v17, v18;
	v55 =	vperm.xlane v20, v27;
	v56 =	vld [tilespmem:s25+$0x0];
	s28 =	sand.u32 $0xFFFFFFF0, s26;
	s29 =	spop (v2sf)  }
0x54: {  	(v2sf) =	vpush v6, $0x2;
	v17 =	vsel vm1, v17, v19;
	v10 =	vperm.xlane v25, v53;
	v57 =	vld [tilespmem:s28+$0x0];
	s30 =	sand.u32 $0xFFFFFFF0, s29;
	s31 =	spop (v2sf)  }
0x55: {  	(v2sf) =	vpush v6, $0x3;
	v17 =	vsel vm2, v17, v55;
	v58 =	vperm.xlane v28, v21;
	v59 =	vld [tilespmem:s30+$0x0];
	s22 =	sand.u32 $0xFFFFFFF0, s31;
	s23 =	spop (v2sf)  }
0x56: {  	(v2sf) =	vpush v6, $0x4;
	v10 =	vsel vm3, v17, v10;
	v60 =	vperm.xlane v52, v22;
	v61 =	vld [tilespmem:s22+$0x0];
	s24 =	sand.u32 $0xFFFFFFF0, s23;
	s25 =	spop (v2sf)  }
0x57: {  	(v2sf) =	vpush v6, $0x5;
	v10 =	vsel vm4, v10, v58;
	v16 =	vperm.xlane v54, v16;
	v62 =	vld [tilespmem:s24+$0x0];
	s26 =	sand.u32 $0xFFFFFFF0, s25;
	s28 =	spop (v2sf)  }
0x58: {  	(v2sf) =	vpush v6, $0x6;
	v10 =	vsel vm5, v10, v60;
	v15 =	vperm.xlane v56, v15;
	v63 =	vld [tilespmem:s26+$0x0];
	s29 =	sand.u32 $0xFFFFFFF0, s28;
	s30 =	spop (v2sf)  }
0x59: {  	(v2sf) =	vpush v6, $0x7;
	v10 =	vsel vm6, v10, v16;
	v14 =	vperm.xlane v57, v14;
	v20 =	vld [tilespmem:s29+$0x0];
	s31 =	sand.u32 $0xFFFFFFF0, s30  }
0x5a: {  	(v2sf) =	vpush v6, $0x8;
	v10 =	vsel vm7, v10, v15;
	v13 =	vperm.xlane v59, v13;
	v21 =	vld [tilespmem:s31+$0x0]  }
0x5b: {  	(v2sf) =	vpush v6, $0x9;
	v10 =	vsel vm8, v10, v14;
	v12 =	vperm.xlane v61, v12  }
0x5c: {  	(v2sf) =	vpush v6, $0xA;
	v10 =	vsel vm9, v10, v13;
	v11 =	vperm.xlane v62, v11  }
0x5d: {  	(v2sf) =	vpush v6, $0xB;
	v10 =	vsel vm10, v10, v12;
	v9 =	vperm.xlane v63, v9  }
0x5e: {  	(v2sf) =	vpush v6, $0xC;
	v10 =	vsel vm11, v10, v11;
	v8 =	vperm.xlane v20, v8  }
0x5f: {  	(v2sf) =	vpush v6, $0xD;
	v9 =	vsel vm12, v10, v9;
	v7 =	vperm.xlane v21, v7  }
0x60: {  	(v2sf) =	vpush v6, $0xE;
	v8 =	vsel vm13, v9, v8  }
0x61: {  	s21 =	spop (v2sf);
	(v2sf) =	vpush v6, $0xF;
	v7 =	vsel vm14, v8, v7  }
0x62: {  	s20 =	sand.u32 $0xFFFFFFF0, s21;
	s22 =	spop (v2sf);
	[tilespmem:s19+$0x6600] =	vst v7  }
0x63: {  	s23 =	sand.u32 $0xFFFFFFF0, s22;
	s24 =	spop (v2sf);
	v7 =	vld [tilespmem:s20+$0x0]  }
0x64: {  	v22 =	vld [tilespmem:s23+$0x0];
	s25 =	sand.u32 $0xFFFFFFF0, s24;
	s26 =	spop (v2sf)  }
0x65: {  	v23 =	vld [tilespmem:s25+$0x0];
	s28 =	sand.u32 $0xFFFFFFF0, s26;
	s29 =	spop (v2sf)  }
0x66: {  	v24 =	vld [tilespmem:s28+$0x0];
	s30 =	sand.u32 $0xFFFFFFF0, s29;
	s31 =	spop (v2sf)  }
0x67: {  	v26 =	vbroadcast v6, $0x1;
	v25 =	vbroadcast v6, $0x0;
	v27 =	vld [tilespmem:s30+$0x0];
	s21 =	sand.u32 $0xFFFFFFF0, s31;
	s22 =	spop (v2sf)  }
0x68: {  	v29 =	vbroadcast v6, $0x3;
	v28 =	vbroadcast v6, $0x2;
	v30 =	vld [tilespmem:s21+$0x0];
	s23 =	sand.u32 $0xFFFFFFF0, s22;
	s24 =	spop (v2sf)  }
0x69: {  	v7 =	vperm.xlane v7, v25;
	v8 =	vperm.xlane v22, v26;
	v31 =	vld [tilespmem:s23+$0x0];
	s25 =	sand.u32 $0xFFFFFFF0, s24;
	s26 =	spop (v2sf)  }
0x6a: {  	v32 =	vbroadcast v6, $0x4;
	v9 =	vperm.xlane v23, v28;
	v33 =	vld [tilespmem:s25+$0x0];
	s28 =	sand.u32 $0xFFFFFFF0, s26;
	s29 =	spop (v2sf)  }
0x6b: {  	v34 =	vbroadcast v6, $0x5;
	v7 =	vsel vm0, v7, v8;
	v35 =	vperm.xlane v24, v29;
	v36 =	vld [tilespmem:s28+$0x0];
	s30 =	sand.u32 $0xFFFFFFF0, s29;
	s31 =	spop (v2sf)  }
0x6c: {  	v37 =	vbroadcast v6, $0x6;
	v7 =	vsel vm1, v7, v9;
	v38 =	vperm.xlane v27, v32;
	v39 =	vld [tilespmem:s30+$0x0];
	s20 =	sand.u32 $0xFFFFFFF0, s31;
	s21 =	spop (v2sf)  }
0x6d: {  	v40 =	vbroadcast v6, $0x7;
	v7 =	vsel vm2, v7, v35;
	v41 =	vperm.xlane v30, v34;
	v42 =	vld [tilespmem:s20+$0x0];
	s22 =	sand.u32 $0xFFFFFFF0, s21;
	s23 =	spop (v2sf)  }
0x6e: {  	v43 =	vbroadcast v6, $0x8;
	v7 =	vsel vm3, v7, v38;
	v44 =	vperm.xlane v31, v37;
	v45 =	vld [tilespmem:s22+$0x0];
	s24 =	sand.u32 $0xFFFFFFF0, s23;
	s25 =	spop (v2sf)  }
0x6f: {  	v46 =	vbroadcast v6, $0x9;
	v7 =	vsel vm4, v7, v41;
	v47 =	vperm.xlane v33, v40;
	v48 =	vld [tilespmem:s24+$0x0];
	s26 =	sand.u32 $0xFFFFFFF0, s25;
	s28 =	spop (v2sf)  }
0x70: {  	v49 =	vbroadcast v6, $0xA;
	v7 =	vsel vm5, v7, v44;
	v50 =	vperm.xlane v36, v43;
	v51 =	vld [tilespmem:s26+$0x0];
	s29 =	sand.u32 $0xFFFFFFF0, s28;
	s30 =	spop (v2sf)  }
0x71: {  	v52 =	vbroadcast v6, $0xB;
	v7 =	vsel vm6, v7, v47;
	v53 =	vperm.xlane v39, v46;
	v54 =	vld [tilespmem:s29+$0x0];
	s31 =	sand.u32 $0xFFFFFFF0, s30  }
0x72: {  	v55 =	vbroadcast v6, $0xC;
	v7 =	vsel vm7, v7, v50;
	v56 =	vperm.xlane v42, v49;
	v57 =	vld [tilespmem:s31+$0x0]  }
0x73: {  	v58 =	vbroadcast v6, $0xD;
	v7 =	vsel vm8, v7, v53;
	v59 =	vperm.xlane v45, v52  }
0x74: {  	v60 =	vbroadcast v6, $0xE;
	v7 =	vsel vm9, v7, v56;
	v61 =	vperm.xlane v48, v55  }
0x75: {  	v6 =	vbroadcast v6, $0xF;
	v7 =	vsel vm10, v7, v59;
	v62 =	vperm.xlane v51, v58  }
0x76: {  	v7 =	vsel vm11, v7, v61;
	v63 =	vperm.xlane v54, v60  }
0x77: {  	v7 =	vsel vm12, v7, v62;
	v6 =	vperm.xlane v57, v6  }
0x78: {  	v7 =	vsel vm13, v7, v63  }
0x79: {  	v6 =	vsel vm14, v7, v6  }
0x7a: {  	[tilespmem:s18+$0x6600] =	vst v6  }
0x7b: {  	[spmem:s6] =	stream.strided.scatter [tilespmem:s14], [sflag:$0x1], $0x1780, s10, s9, $0x38;
	[tilespmem:$0x180F0] =	vst v63  }
.Ltmp3:
0x7c: {  	_ =	swait.ge [sflag:s11], $0x1780;
	(pc) =	sbr.rel @p0 .LBB2_30-.Ltmp3, $3  }
0x7d: {  	[sflag:s11] =	ssyncset.done $0x0  }
0x7e: {  	[sflag:s11] =	ssyncadd.s32 $0xFFFFE880  }
0x7f: {  	[bflag:$0x0] =	sbarrier.arrive $0xFFFF;
	_ =	sdelay $0x1  }
0x80: {  	[tilespmem:s15], [sflag:$0x1] =	stream.linear.gather [spmem:s3], $0xBC00, $0x38;
	[tilespmem:$0x180F0] =	vst v63  }
0x81: {  	s18 =	simm.s32 $0x0  }
0x82: {  	_ =	swait.ge [sflag:s11], $0xBC00;
	s19 =	sand.u32 $0x7, s18;
	s20 =	sand.u32 $0x70, s18  }
0x83: {  	s21 =	sand.u32 $0xFC00, s18;
	[sflag:s11] =	ssyncset.done $0x0;
	s19 =	sshll.u32 s19, $0x4  }
0x84: {  	[sflag:s11] =	ssyncadd.s32 $0xFFFF4400;
	s22 =	sadd.s32 $0x0, s19;
	s19 =	sor.u32 s20, s21  }
0x85: {  	v6 =	vld [tilespmem:s19+$0x8080];
	s30 =	sor.u32 $0x380, s22  }
0x86: {  	v7 =	vld [tilespmem:s30+$0x7D80];
	_ =	sdelay $0x3  }
0x87: {  	v6 =	vmul.f32 $2.000000030e-01, v6  }
0x88: {  	v7 =	vmul.f32 $2.000000030e-01, v7  }
0x89: {  	v6 =	vmul.f32 $1.442695020e+00, v6  }
0x8a: {  	v8 =	vld [tilespmem:s19+$0x7E00];
	v7 =	vmul.f32 $1.442695020e+00, v7  }
0x8b: {  	v9 =	vld [tilespmem:s19+$0x7D80];
	(erf) = vpow2.f32 v6  }
0x8c: {  	v6 =	vld [tilespmem:s19+$0x7E80];
	(erf) = vpow2.f32 v7  }
0x8d: {  	v7 =	vld [tilespmem:s19+$0x7F00]  }
0x8e: {  	v10 =	vld [tilespmem:s19+$0x8000]  }
0x8f: {  	v11 =	vld [tilespmem:s19+$0x7F80];
	_ =	sdelay $0x1  }
0x90: {  	v6 =	vsub.f32 v6, v9  }
0x91: {  	v7 =	vsub.f32 v7, v8  }
0x92: {  	v10 =	vmul.f32 $1.000000010e-01, v10;
	v12 =	vmul.f32 $5.000000000e-01, v6  }
0x93: {  	v11 =	vmul.f32 $1.000000010e-01, v11;
	v13 =	vmul.f32 $5.000000000e-01, v7;
	v14 =	vpop (erf)  }
0x94: {  	v10 =	vmul.f32 v10, v7;
	v9 =	vadd.f32 v12, v9;
	v59 =	vmul.f32 v14, v6;
	v60 =	vpop (erf)  }
0x95: {  	v6 =	vmul.f32 v11, v6;
	v8 =	vadd.f32 v13, v8;
	v7 =	vmul.f32 v60, v7  }
0x96: {  	v61 =	vmul.f32 $5.000000000e-01, v59  }
0x97: {  	v6 =	vadd.f32 v6, v9;
	v8 =	vadd.f32 v10, v8;
	v62 =	vmul.f32 $5.000000000e-01, v7;
	_ =	sdelay $0x1  }
0x98: {  	v6 =	vsub.f32 v6, v61;
	v8 =	vsub.f32 v8, v62;
	_ =	sdelay $0x1  }
0x99: {  	v63 =	vadd.f32 v6, v59;
	v7 =	vadd.f32 v8, v7  }
0x9a: {  	v6 =	vmax.f32 v6, $0.0e+00;
	v8 =	vmax.f32 v8, $0.0e+00  }
0x9b: {  	v6 =	vmin.f32 v6, $1.000000000e+00;
	v9 =	vmax.f32 v63, $0.0e+00;
	v7 =	vmax.f32 v7, $0.0e+00  }
0x9c: {  	s20 =	simm.s32 $0x1;
	v8 =	vmin.f32 v8, $1.000000000e+00;
	[tilespmem:s19+$0x7D80] =	vst v6;
	v9 =	vmin.f32 v9, $1.000000000e+00;
	v7 =	vmin.f32 v7, $1.000000000e+00  }
0x9d: {  	s31 =	simm.s32 $0x10;
	s21 =	simm.s32 $0x80;
	s23 =	sand.u32 $0x7, s20;
	[tilespmem:s19+$0x7E00] =	vst v8;
	v6 =	vsub.f32 v9, v6;
	v8 =	vsub.f32 v7, v8  }
0x9e: {  	s24 =	sand.u32 $0x70, s31;
	s25 =	sand.u32 $0xFC00, s21;
	s23 =	sshll.u32 s23, $0x4;
	[tilespmem:s19+$0x7E80] =	vst v9  }
0x9f: {  	s22 =	simm.s32 $0x20;
	s24 =	sor.u32 s24, s25;
	s23 =	sadd.s32 $0x80, s23;
	[tilespmem:s19+$0x7F00] =	vst v7;
	v6 =	vmul.f32 v8, v6  }
.LBB2_5:
0xa0: {  	p1 =	sne.s32 s22, $0x1760;
	s25 =	sor.u32 $0x380, s23  }
0xa1: {  	v7 =	vld [tilespmem:s24+$0x8080];
	[tilespmem:s19+$0x7F80] =	vst v6;
	s23 =	smov.u32 s22;
	s22 =	sadd.s32 $0x10, s22;
	s19 =	smov.u32 s24  }
0xa2: {  	v6 =	vld [tilespmem:s25+$0x7D80];
	_ =	sdelay $0x3  }
0xa3: {  	v7 =	vmul.f32 $2.000000030e-01, v7  }
0xa4: {  	v6 =	vmul.f32 $2.000000030e-01, v6  }
0xa5: {  	v7 =	vmul.f32 $1.442695020e+00, v7  }
0xa6: {  	v8 =	vld [tilespmem:s19+$0x7E00];
	v6 =	vmul.f32 $1.442695020e+00, v6  }
0xa7: {  	v9 =	vld [tilespmem:s19+$0x7D80];
	(erf) = vpow2.f32 v7  }
0xa8: {  	v7 =	vld [tilespmem:s19+$0x7E80];
	(erf) = vpow2.f32 v6  }
0xa9: {  	v6 =	vld [tilespmem:s19+$0x7F00]  }
0xaa: {  	v10 =	vld [tilespmem:s19+$0x8000]  }
0xab: {  	v11 =	vld [tilespmem:s19+$0x7F80];
	_ =	sdelay $0x1  }
0xac: {  	v7 =	vsub.f32 v7, v9  }
0xad: {  	v6 =	vsub.f32 v6, v8  }
0xae: {  	v10 =	vmul.f32 $1.000000010e-01, v10;
	v12 =	vmul.f32 $5.000000000e-01, v7  }
0xaf: {  	v11 =	vmul.f32 $1.000000010e-01, v11;
	v13 =	vmul.f32 $5.000000000e-01, v6;
	v14 =	vpop (erf)  }
0xb0: {  	v9 =	vadd.f32 v12, v9;
	v10 =	vmul.f32 v10, v6;
	v12 =	vmul.f32 v14, v7;
	v14 =	vpop (erf)  }
0xb1: {  	v7 =	vmul.f32 v11, v7;
	v8 =	vadd.f32 v13, v8;
	v6 =	vmul.f32 v14, v6  }
0xb2: {  	v11 =	vmul.f32 $5.000000000e-01, v12  }
0xb3: {  	v7 =	vadd.f32 v7, v9;
	v8 =	vadd.f32 v10, v8;
	v9 =	vmul.f32 $5.000000000e-01, v6;
	_ =	sdelay $0x1  }
0xb4: {  	v7 =	vsub.f32 v7, v11;
	v8 =	vsub.f32 v8, v9;
	_ =	sdelay $0x1  }
0xb5: {  	v9 =	vadd.f32 v7, v12;
	v6 =	vadd.f32 v8, v6;
	v8 =	vmax.f32 v8, $0.0e+00  }
0xb6: {  	v7 =	vmax.f32 v7, $0.0e+00  }
0xb7: {  	v7 =	vmin.f32 v7, $1.000000000e+00;
	v9 =	vmax.f32 v9, $0.0e+00;
	v6 =	vmax.f32 v6, $0.0e+00  }
.Ltmp4:
0xb8: {  	v8 =	vmin.f32 v8, $1.000000000e+00;
	v9 =	vmin.f32 v9, $1.000000000e+00;
	v6 =	vmin.f32 v6, $1.000000000e+00;
	[tilespmem:s19+$0x7D80] =	vst v7;
	(pc) =	sbr.rel @p1 .LBB2_5-.Ltmp4, $4  }
0xb9: {  	s20 =	sadd.s32 $0x1, s20;
	[tilespmem:s19+$0x7E00] =	vst v8;
	v7 =	vsub.f32 v9, v7;
	v8 =	vsub.f32 v6, v8  }
0xba: {  	s21 =	sadd.s32 $0x80, s21;
	s24 =	sand.u32 $0x7, s20;
	[tilespmem:s19+$0x7F00] =	vst v6  }
0xbb: {  	s25 =	sand.u32 $0x70, s23;
	s26 =	sand.u32 $0xFC00, s21;
	s24 =	sshll.u32 s24, $0x4;
	[tilespmem:s19+$0x7E80] =	vst v9;
	v6 =	vmul.f32 v8, v7  }
0xbc: {  	s23 =	sadd.s32 s24, s21;
	s24 =	sor.u32 s25, s26  }
0xbd: {  	v7 =	vld [tilespmem:s24+$0x8080];
	s20 =	sor.u32 $0x380, s23;
	[tilespmem:s19+$0x7F80] =	vst v6  }
0xbe: {  	v6 =	vld [tilespmem:s20+$0x7D80];
	_ =	sdelay $0x3  }
0xbf: {  	v7 =	vmul.f32 $2.000000030e-01, v7  }
0xc0: {  	v6 =	vmul.f32 $2.000000030e-01, v6  }
0xc1: {  	v7 =	vmul.f32 $1.442695020e+00, v7  }
0xc2: {  	v8 =	vld [tilespmem:s24+$0x7E00];
	v6 =	vmul.f32 $1.442695020e+00, v6  }
0xc3: {  	v9 =	vld [tilespmem:s24+$0x7D80];
	(erf) = vpow2.f32 v7  }
0xc4: {  	v7 =	vld [tilespmem:s24+$0x7E80];
	(erf) = vpow2.f32 v6  }
0xc5: {  	v6 =	vld [tilespmem:s24+$0x7F00]  }
0xc6: {  	v10 =	vld [tilespmem:s24+$0x8000]  }
0xc7: {  	v11 =	vld [tilespmem:s24+$0x7F80];
	_ =	sdelay $0x1  }
0xc8: {  	v7 =	vsub.f32 v7, v9  }
0xc9: {  	v6 =	vsub.f32 v6, v8  }
0xca: {  	v10 =	vmul.f32 $1.000000010e-01, v10;
	v12 =	vmul.f32 $5.000000000e-01, v7  }
0xcb: {  	v11 =	vmul.f32 $1.000000010e-01, v11;
	v13 =	vmul.f32 $5.000000000e-01, v6;
	v14 =	vpop (erf)  }
0xcc: {  	v10 =	vmul.f32 v10, v6;
	v9 =	vadd.f32 v12, v9;
	v58 =	vmul.f32 v14, v7;
	v59 =	vpop (erf)  }
0xcd: {  	v7 =	vmul.f32 v11, v7;
	v8 =	vadd.f32 v13, v8;
	v6 =	vmul.f32 v59, v6  }
0xce: {  	v60 =	vmul.f32 $5.000000000e-01, v58  }
0xcf: {  	v7 =	vadd.f32 v7, v9;
	v8 =	vadd.f32 v10, v8;
	v61 =	vmul.f32 $5.000000000e-01, v6;
	_ =	sdelay $0x1  }
0xd0: {  	v7 =	vsub.f32 v7, v60;
	v8 =	vsub.f32 v8, v61;
	_ =	sdelay $0x1  }
0xd1: {  	v62 =	vadd.f32 v7, v58;
	v6 =	vadd.f32 v8, v6  }
0xd2: {  	v7 =	vmax.f32 v7, $0.0e+00;
	v8 =	vmax.f32 v8, $0.0e+00  }
0xd3: {  	v7 =	vmin.f32 v7, $1.000000000e+00;
	v9 =	vmax.f32 v62, $0.0e+00;
	v6 =	vmax.f32 v6, $0.0e+00  }
0xd4: {  	v8 =	vmin.f32 v8, $1.000000000e+00;
	v9 =	vmin.f32 v9, $1.000000000e+00;
	v6 =	vmin.f32 v6, $1.000000000e+00  }
0xd5: {  	[tilespmem:s24+$0x7D80] =	vst v7;
	v7 =	vsub.f32 v9, v7;
	v63 =	vsub.f32 v6, v8  }
0xd6: {  	[tilespmem:s24+$0x7E00] =	vst v8  }
0xd7: {  	[tilespmem:s24+$0x7F00] =	vst v6;
	v6 =	vmul.f32 v63, v7  }
0xd8: {  	[tilespmem:s24+$0x7E80] =	vst v9  }
0xd9: {  	[tilespmem:s24+$0x7F80] =	vst v6  }
.LBB2_7:
0xda: {  	p1 =	sne.s32 s18, $0x3E40  }
.Ltmp5:
0xdb: {  	_ = 	snop;
	(pc) =	sbr.rel @p1 .LBB2_7-.Ltmp5, $3  }
0xdc: {  	_ =	sdelay $0x1  }
0xdd: {  	s19 =	sshra.s32 s18, $0x2  }
0xde: {  	s18 =	sadd.s32 $0x40, s18;
	[tilespmem:s19+$0x15980] =	vst v3  }
0xdf: {  	s18 =	simm.s32 $0x0  }
0xe0: {  	s19 =	sand.u32 $0x70, s18;
	s20 =	sand.u32 $0x1C00, s18  }
0xe1: {  	s20 =	sor.u32 s19, s20  }
0xe2: {  	s19 =	sadd.s32 $0x13980, s20;
	[tilespmem:s20+$0x13980] =	vst v3  }
0xe3: {  	[tilespmem:s19+$0x200] =	vst v3  }
0xe4: {  	s20 =	simm.s32 $0x10;
	[tilespmem:s19+$0x80] =	vst v3  }
.LBB2_9:
0xe5: {  	s21 =	sand.u32 $0x70, s20;
	[tilespmem:s19+$0x100] =	vst v3;
	s18 =	sadd.s32 $0x80, s18;
	p1 =	sne.s32 s20, $0x3F0  }
.Ltmp6:
0xe6: {  	s20 =	sadd.s32 $0x10, s20;
	s22 =	sand.u32 $0x1C00, s18;
	[tilespmem:s19+$0x180] =	vst v3;
	(pc) =	sbr.rel @p1 .LBB2_9-.Ltmp6, $4  }
0xe7: {  	s21 =	sor.u32 s21, s22  }
0xe8: {  	s19 =	sadd.s32 $0x13980, s21;
	[tilespmem:s21+$0x13980] =	vst v3  }
0xe9: {  	[tilespmem:s19+$0x200] =	vst v3  }
0xea: {  	[tilespmem:s19+$0x80] =	vst v3  }
.Ltmp7:
0xeb: {  	(pc) =	sbr.rel .LBB2_11-.Ltmp7, $3  }
0xec: {  	_ =	sdelay $0x1  }
0xed: {  	[tilespmem:s19+$0x100] =	vst v3;
	s18 =	simm.s32 $0x0  }
0xee: {  	[tilespmem:s19+$0x180] =	vst v3;
	s19 =	simm.s32 $0x0;
	[smem:$0x0] =	sst s18  }
.LBB2_14:
0xef: {  	v30 =	vimm.f32 $0.0e+00  }
0xf0: {  	v36 =	vimm.f32 $0.0e+00;
	v25 =	vimm.f32 $0.0e+00;
	v15 =	vimm.f32 $0.0e+00  }
.LBB2_26:
0xf1: {  	v40 =	vld [tilespmem:s20+$0x90]  }
0xf2: {  	v41 =	vld [tilespmem:s20+$0x110]  }
0xf3: {  	v42 =	vld [tilespmem:s20+$0x190];
	v18 =	vmin.f32 @p1 v6, v18;
	v38 =	vmax.f32 @p1 v38, $0.0e+00;
	v13 =	vsub.f32 @p1 v37, v13  }
0xf4: {  	v39 =	vmax.f32 @p1 v39, $0.0e+00;
	v22 =	vadd.f32 @p1 v22, v10;
	v23 =	vadd.f32 @p1 v23, v10;
	v46 =	vld [tilespmem:s20+$0x80]  }
0xf5: {  	(erf) = vrcp.f32 @p3 v35;
	v47 =	vld [tilespmem:s20+$0x210];
	v37 =	vmul.f32 @p1 v39, v38;
	v18 =	vsub.f32 @p1 v18, v28  }
0xf6: {  	v14 =	vmax.f32 v9, v14;
	v48 =	vld [tilespmem:s20+$0x100];
	v20 =	vmax.f32 v9, v20;
	v34 =	vadd.f32 @p2 $9.999999930e-09, v34  }
0xf7: {  	v52 =	vld [tilespmem:s20+$0x180];
	v13 =	vmax.f32 @p1 v13, $0.0e+00;
	v22 =	vsub.f32 @p1 v22, v37;
	v18 =	vmax.f32 @p1 v18, $0.0e+00  }
0xf8: {  	v49 =	vmax.f32 v8, v40;
	v50 =	vmin.f32 v7, v41;
	v51 =	vmin.f32 v6, v42  }
0xf9: {  	v54 =	vld [tilespmem:s20+$0x200];
	v13 =	vmul.f32 @p1 v18, v13;
	v14 =	vsub.f32 v50, v14;
	v39 =	vsub.f32 v51, v49  }
0xfa: {  	v22 =	vadd.f32 @p1 $9.999999930e-09, v22;
	v53 =	vadd.f32 v47, v10;
	v55 =	vmax.f32 v8, v46  }
0xfb: {  	v56 =	vmin.f32 v7, v48;
	v14 =	vmax.f32 v14, $0.0e+00;
	v39 =	vmax.f32 v39, $0.0e+00  }
0xfc: {  	v57 =	vmin.f32 v6, v52;
	v23 =	vsub.f32 @p1 v23, v13;
	v14 =	vmul.f32 v39, v14  }
0xfd: {  	v20 =	vsub.f32 v56, v20;
	(erf) = vrcp.f32 @p1 v22;
	v22 =	vsub.f32 v57, v55  }
0xfe: {  	v26 =	vpsel p2, v34, v26;
	v58 =	vadd.f32 v54, v10;
	v18 =	vsub.f32 v53, v14  }
0xff: {  	v23 =	vpsel p1, v23, v29;
	v20 =	vmax.f32 v20, $0.0e+00;
	v22 =	vmax.f32 v22, $0.0e+00  }
0x100: {  	v23 =	vadd.f32 @p1 $9.999999930e-09, v23;
	v20 =	vmul.f32 v22, v20;
	v18 =	vadd.f32 $9.999999930e-09, v18  }
0x101: {  	(erf) = vrcp.f32 @p2 v26  }
0x102: {  	v22 =	vsub.f32 v58, v20;
	(erf) = vrcp.f32 v18;
	v18 =	vpsel p1, v23, v19  }
0x103: {  	v19 =	vpop @p4 (erf);
	(erf) = vrcp.f32 @p1 v18  }
0x104: {  	v13 =	vpsel p1, v13, v24;
	v59 =	vadd.f32 $9.999999930e-09, v22  }
0x105: {  	v61 =	vpsel p1, v13, v12  }
0x106: {  	v26 =	vmov @p2 v27;
	v23 =	vmov @p3 v33;
	v18 =	vpop @p2 (erf);
	(erf) = vrcp.f32 v59  }
0x107: {  	v27 =	vmax.f32 @p5 v30, v31;
	v19 =	vmul.f32 @p4 v19, v32;
	v23 =	vpsel p3, v23, v12;
	v22 =	vpop @p3 (erf)  }
0x108: {  	v16 =	vpsel p2, v26, v16;
	v24 =	vpsel p5, v27, v11;
	v13 =	vmovc @p1 v37;
	v22 =	vmul.f32 @p3 v22, v23  }
0x109: {  	v16 =	vpsel p2, v16, v0;
	v13 =	vpsel p1, v13, v21;
	v19 =	vpsel p4, v19, v0;
	v28 =	vpop @p1 (erf)  }
0x10a: {  	v12 =	vpsel p1, v61, v0;
	v17 =	vmul.f32 @p2 v18, v17;
	v19 =	vmax.f32 @p4 v24, v19;
	v18 =	vpop @p2 (erf)  }
0x10b: {  	v16 =	vmul.f32 @p2 v18, v16;
	v18 =	vpsel p4, v19, v11;
	v19 =	vpsel p3, v22, v0;
	v60 =	vpop (erf)  }
0x10c: {  	v17 =	vmax.f32 @p2 v36, v17;
	v13 =	vmul.f32 @p1 v28, v13;
	v18 =	vmax.f32 @p3 v18, v19;
	v22 =	vpop @p1 (erf)  }
0x10d: {  	v18 =	vpsel p3, v18, v11;
	v16 =	vpsel p2, v16, v0;
	v12 =	vmul.f32 @p1 v22, v12  }
0x10e: {  	v17 =	vpsel p2, v17, v25;
	v16 =	vmax.f32 @p2 v18, v16  }
0x10f: {  	v13 =	vmax.f32 @p1 v17, v13;
	v16 =	vpsel p2, v16, v11;
	v62 =	vpop (erf);
	v12 =	vpsel p1, v12, v0  }
0x110: {  	v14 =	vmul.f32 v60, v14;
	v17 =	vmul.f32 v62, v20;
	v12 =	vmax.f32 @p1 v16, v12  }
0x111: {  	v13 =	vpsel p1, v13, v15;
	v11 =	vpsel p1, v12, v11  }
0x112: {  	v63 =	vmax.f32 v13, v14;
	v11 =	vmax.f32 v11, v17  }
0x113: {  	v11 =	vmax.f32 v11, v63  }
.LBB2_27:
0x114: {  	v12 =	vperm.xlane v11, v0;
	_ =	sdelay $0x1  }
0x115: {  	v11 =	vmax.f32 v11, v12  }
0x116: {  	v12 =	vperm.xlane v11, v1;
	_ =	sdelay $0x1  }
0x117: {  	v11 =	vmax.f32 v11, v12  }
0x118: {  	v12 =	vperm.xlane v11, v2;
	_ =	sdelay $0x1  }
0x119: {  	v11 =	vmax.f32 v11, v12  }
0x11a: {  	v12 =	vperm.xlane v11, v4;
	_ =	sdelay $0x1  }
0x11b: {  	v11 =	vmax.f32 v11, v12  }
0x11c: {  	(v2sf) =	vpush v11, $0x0;
	_ =	sdelay $0xc  }
0x11d: {  	s20 =	sshll.u32 s19, $0x3  }
0x11e: {  	s21 =	sand.u32 $0x70, s19;
	s20 =	sand.u32 $0xFFFFFC00, s20  }
0x11f: {  	s20 =	sor.u32 s21, s20;
	s22 =	spop (v2sf)  }
0x120: {  	s21 =	sadd.s32 $0x13980, s20;
	v52 =	vld [tilespmem:s20+$0x13980];
	p1 =	sle.f32 s22, $6.999999880e-01  }
0x121: {  	v53 =	vld [tilespmem:s21+$0x80];
	s22 =	sand.u32 $0xF, s19  }
0x122: {  	v13 =	vld [tilespmem:s21+$0x100];
	s22 =	simm.s32 @!p1 $0x10  }
0x123: {  	v15 =	vld [tilespmem:s21+$0x180];
	v14 =	vmov s22  }
0x124: {  	v54 =	vld [tilespmem:s21+$0x200];
	vm15 =	veq.s32 v14, v5  }
0x125: {  	v11 =	vsel vm15, v9, v52  }
0x126: {  	v55 =	vsel vm15, v8, v53;
	[tilespmem:s20+$0x13980] =	vst v11  }
0x127: {  	v56 =	vsel vm15, v7, v13;
	[tilespmem:s21+$0x80] =	vst v55  }
0x128: {  	v57 =	vsel vm15, v6, v15;
	[tilespmem:s21+$0x100] =	vst v56  }
0x129: {  	s28 =	sshll.u32 s19, $0x2;
	v10 =	vsel vm15, v10, v54;
	[tilespmem:s21+$0x180] =	vst v57  }
0x12a: {  	s29 =	sand.u32 $0xFFFFFFF0, s28;
	[tilespmem:s21+$0x200] =	vst v10  }
0x12b: {  	v10 =	vld [tilespmem:s29+$0x15980]  }
0x12c: {  	s20 =	sand.u32 $0xC, s28  }
0x12d: {  	s20 =	simm.s32 @!p1 $0x20  }
0x12e: {  	v58 =	vmov s20;
	s30 =	sor.u32 $0x1, s20  }
0x12f: {  	s31 =	sor.u32 $0x2, s20;
	vm15 =	veq.s32 v58, v5;
	v59 =	vmov s30  }
0x130: {  	s20 =	sor.u32 $0x3, s20;
	v61 =	vmov s31;
	v60 =	vsel vm15, v9, v10;
	vm15 =	veq.s32 v59, v5  }
0x131: {  	v63 =	vmov s20;
	s20 =	simm.s32 $0x1;
	v62 =	vsel vm15, v8, v60;
	vm15 =	veq.s32 v61, v5  }
0x132: {  	s20 =	simm.s32 @!p1 $0x0;
	v7 =	vsel vm15, v7, v62;
	vm15 =	veq.s32 v63, v5  }
0x133: {  	s19 =	sadd.s32 s20, s19;
	v6 =	vsel vm15, v6, v7  }
0x134: {  	[smem:$0x0] =	sst s19;
	[tilespmem:s29+$0x15980] =	vst v6  }
.LBB2_28:
0x135: {  	s18 =	sadd.s32 $0x1, s18  }
0x136: {  	p1 =	sne.s32 s18, $0x1770  }
.Ltmp8:
0x137: {  	_ = 	snop;
	(pc) =	sbr.rel @!p1 .LBB2_29-.Ltmp8, $1  }
0x138: {  	_ =	sdelay $0x3  }
.LBB2_11:
0x139: {  	p1 =	sgt.s32 s19, $0x3E7  }
.Ltmp9:
0x13a: {  	_ = 	snop;
	(pc) =	sbr.rel @p1 .LBB2_28-.Ltmp9, $1  }
0x13b: {  	_ =	sdelay $0x3  }
0x13c: {  	s20 =	sshll.u32 s18, $0x3  }
0x13d: {  	s21 =	sand.u32 $0x70, s18;
	s20 =	sand.u32 $0xFC00, s20  }
0x13e: {  	s20 =	sor.u32 s21, s20  }
0x13f: {  	v6 =	vld [tilespmem:s20+$0x7D80]  }
0x140: {  	v7 =	vld [tilespmem:s20+$0x7E00]  }
0x141: {  	s31 =	sadd.s32 $0x1F, s19;
	v10 =	vld [tilespmem:s20+$0x7E80]  }
0x142: {  	s21 =	sshra.s32 s31, $0x5;
	v11 =	vld [tilespmem:s20+$0x7F00]  }
0x143: {  	v12 =	vld [tilespmem:s20+$0x7F80];
	p1 =	slt.s32 s21, $0x1  }
.Ltmp10:
0x144: {  	s30 =	sand.u32 $0xF, s18;
	(pc) =	sbr.rel @p1 .LBB2_27-.Ltmp10, $4  }
0x145: {  	v13 =	vmov s30  }
0x146: {  	v9 =	vperm.xlane v6, v13  }
0x147: {  	v8 =	vperm.xlane v7, v13;
	v6 =	vperm.xlane v11, v13  }
0x148: {  	s20 =	simm.s32 $0x0;
	v7 =	vperm.xlane v10, v13;
	v10 =	vperm.xlane v12, v13;
	v11 =	vimm.f32 $0.0e+00  }
0x149: {  	p6 =	sne.s32 s21, $0x1  }
.Ltmp11:
0x14a: {  	_ = 	snop;
	(pc) =	sbr.rel @!p6 .LBB2_14-.Ltmp11, $4  }
0x14b: {  	s22 =	sand.u32 $0x60, s20;
	s31 =	sand.u32 $0xFFFFFC00, s20  }
0x14c: {  	s21 =	sadd.s32 $0xFFFFFFFF, s21;
	s22 =	sor.u32 s22, s31  }
0x14d: {  	p1 =	por $0x0, $0x0;
	p2 =	por $0x0, $0x0;
	s20 =	sadd.s32 $0x13980, s22;
	v20 =	vld [tilespmem:s22+$0x13980]  }
0x14e: {  	p3 =	por $0x0, $0x0;
	p4 =	por $0x0, $0x0;
	p5 =	por $0x0, $0x0;
	v14 =	vld [tilespmem:s20+$0x10]  }
0x14f: {  	v12 =	vld [tilespmem:s20+$0x90]  }
0x150: {  	v15 =	vld [tilespmem:s20+$0x110]  }
0x151: {  	v16 =	vld [tilespmem:s20+$0x190]  }
0x152: {  	v17 =	vld [tilespmem:s20+$0x80]  }
0x153: {  	v19 =	vld [tilespmem:s20+$0x100];
	p6 =	sne.s32 s21, $0x1  }
.Ltmp12:
0x154: {  	v18 =	vld [tilespmem:s20+$0x180];
	s22 =	simm.s32 $0x100;
	s23 =	simm.s32 $0x20;
	(pc) =	sbr.rel @!p6 .LBB2_16-.Ltmp12, $4  }
0x155: {  	v22 =	vld [tilespmem:s20+$0x210];
	s23 =	sand.u32 $0x60, s23;
	s22 =	sand.u32 $0xFFFFFC00, s22  }
0x156: {  	v23 =	vld [tilespmem:s20+$0x200];
	s22 =	sor.u32 s23, s22;
	v13 =	vmax.f32 v9, v20;
	v14 =	vmax.f32 v9, v14;
	v12 =	vmax.f32 v8, v12  }
0x157: {  	s20 =	sadd.s32 $0x13980, s22;
	v20 =	vld [tilespmem:s22+$0x13980];
	v15 =	vmin.f32 v7, v15;
	v16 =	vmin.f32 v6, v16;
	v28 =	vmax.f32 v8, v17  }
0x158: {  	s21 =	sadd.s32 $0xFFFFFFFF, s21;
	p1 =	por $0x1, $0x1;
	v37 =	vmin.f32 v7, v19;
	v38 =	vsub.f32 v15, v14;
	v39 =	vsub.f32 v16, v12;
	v14 =	vld [tilespmem:s20+$0x10]  }
0x159: {  	v15 =	vld [tilespmem:s20+$0x90]  }
0x15a: {  	v19 =	vld [tilespmem:s20+$0x110]  }
0x15b: {  	v18 =	vmin.f32 v6, v18;
	v24 =	vld [tilespmem:s20+$0x80]  }
0x15c: {  	v21 =	vsub.f32 v37, v13;
	v26 =	vld [tilespmem:s20+$0x100];
	v12 =	vmax.f32 v38, $0.0e+00;
	v16 =	vmax.f32 v39, $0.0e+00  }
0x15d: {  	v18 =	vsub.f32 v18, v28;
	v17 =	vmul.f32 v16, v12;
	v12 =	vadd.f32 v22, v10;
	v16 =	vld [tilespmem:s20+$0x190]  }
0x15e: {  	s22 =	simm.s32 $0x200;
	s23 =	simm.s32 $0x40;
	p6 =	sne.s32 s21, $0x1;
	v25 =	vadd.f32 v23, v10;
	v13 =	vmax.f32 v9, v20  }
.Ltmp13:
0x15f: {  	s23 =	sand.u32 $0x60, s23;
	s22 =	sand.u32 $0xFFFFFC00, s22;
	v23 =	vld [tilespmem:s20+$0x200];
	v20 =	vmax.f32 v18, $0.0e+00;
	v22 =	vsub.f32 v12, v17;
	v12 =	vmax.f32 v21, $0.0e+00;
	(pc) =	sbr.rel @!p6 .LBB2_18-.Ltmp13, $4  }
0x160: {  	s22 =	sor.u32 s23, s22;
	v18 =	vld [tilespmem:s20+$0x180];
	v14 =	vmax.f32 v9, v14;
	v12 =	vmul.f32 v20, v12;
	v15 =	vmax.f32 v8, v15  }
0x161: {  	v19 =	vmin.f32 v7, v19;
	v28 =	vmax.f32 v8, v24;
	v20 =	vadd.f32 $9.999999930e-09, v22;
	v22 =	vld [tilespmem:s20+$0x210];
	s20 =	sadd.s32 $0x13980, s22  }
0x162: {  	v37 =	vmin.f32 v7, v26;
	v38 =	vsub.f32 v19, v14;
	v16 =	vmin.f32 v6, v16;
	v14 =	vld [tilespmem:s20+$0x10]  }
0x163: {  	s21 =	sadd.s32 $0xFFFFFFFF, s21;
	p2 =	por $0x1, $0x1;
	v34 =	vsub.f32 v25, v12;
	(erf) = vrcp.f32 v20;
	v20 =	vld [tilespmem:s22+$0x13980];
	v39 =	vsub.f32 v16, v15  }
0x164: {  	_ = 	snop  }
0x165: {  	v15 =	vld [tilespmem:s20+$0x90]  }
0x166: {  	v16 =	vmax.f32 v38, $0.0e+00;
	v21 =	vld [tilespmem:s20+$0x110];
	v19 =	vmax.f32 v39, $0.0e+00  }
0x167: {  	v24 =	vld [tilespmem:s20+$0x190];
	v18 =	vmin.f32 v6, v18;
	v25 =	vmul.f32 v19, v16;
	v16 =	vadd.f32 v22, v10  }
0x168: {  	v19 =	vsub.f32 v37, v13;
	v18 =	vsub.f32 v18, v28  }
0x169: {  	v26 =	vadd.f32 v23, v10;
	v29 =	vld [tilespmem:s20+$0x100];
	v22 =	vsub.f32 v16, v25  }
0x16a: {  	v27 =	vld [tilespmem:s20+$0x80];
	s22 =	simm.s32 $0x300;
	s23 =	simm.s32 $0x60;
	p6 =	sne.s32 s21, $0x1;
	v13 =	vmax.f32 v9, v20;
	v16 =	vmax.f32 v19, $0.0e+00;
	v20 =	vmax.f32 v18, $0.0e+00  }
.Ltmp14:
0x16b: {  	v23 =	vld [tilespmem:s20+$0x200];
	s23 =	sand.u32 $0x60, s23;
	s22 =	sand.u32 $0xFFFFFC00, s22;
	v14 =	vmax.f32 v9, v14;
	v19 =	vadd.f32 $9.999999930e-09, v34;
	v16 =	vmul.f32 v20, v16;
	(pc) =	sbr.rel @!p6 .LBB2_20-.Ltmp14, $4  }
0x16c: {  	s22 =	sor.u32 s23, s22;
	v18 =	vld [tilespmem:s20+$0x180];
	v15 =	vmax.f32 v8, v15;
	v21 =	vmin.f32 v7, v21;
	v24 =	vmin.f32 v6, v24;
	v28 =	vpop (erf)  }
0x16d: {  	v20 =	vadd.f32 $9.999999930e-09, v22;
	v22 =	vld [tilespmem:s20+$0x210];
	s20 =	sadd.s32 $0x13980, s22;
	v38 =	vsub.f32 v21, v14;
	v17 =	vmul.f32 v28, v17  }
0x16e: {  	v37 =	vmin.f32 v7, v29;
	v39 =	vsub.f32 v24, v15;
	v14 =	vld [tilespmem:s20+$0x10];
	v34 =	vsub.f32 v26, v16  }
0x16f: {  	s21 =	sadd.s32 $0xFFFFFFFF, s21;
	p3 =	por $0x1, $0x1;
	(erf) = vrcp.f32 v20;
	v20 =	vld [tilespmem:s22+$0x13980];
	v28 =	vmax.f32 v8, v27;
	v15 =	vmax.f32 v11, v17  }
0x170: {  	_ = 	snop  }
0x171: {  	v17 =	vld [tilespmem:s20+$0x90]  }
0x172: {  	v21 =	vmax.f32 v38, $0.0e+00;
	v27 =	vld [tilespmem:s20+$0x110]  }
0x173: {  	v24 =	vmax.f32 v39, $0.0e+00;
	v29 =	vld [tilespmem:s20+$0x190];
	v30 =	vadd.f32 v23, v10;
	v18 =	vmin.f32 v6, v18  }
0x174: {  	v31 =	vld [tilespmem:s20+$0x100];
	v21 =	vmul.f32 v24, v21;
	v24 =	vsub.f32 v37, v13;
	v18 =	vsub.f32 v18, v28  }
0x175: {  	(erf) = vrcp.f32 v19;
	v26 =	vadd.f32 $9.999999930e-09, v34;
	v22 =	vadd.f32 v22, v10;
	v28 =	vld [tilespmem:s20+$0x80]  }
0x176: {  	s22 =	simm.s32 $0x400;
	s23 =	simm.s32 $0x80;
	p6 =	sne.s32 s21, $0x1;
	v13 =	vmax.f32 v9, v20;
	v20 =	vmax.f32 v24, $0.0e+00;
	v23 =	vmax.f32 v18, $0.0e+00  }
.Ltmp15:
0x177: {  	s23 =	sand.u32 $0x60, s23;
	s22 =	sand.u32 $0xFFFFFC00, s22;
	v14 =	vmax.f32 v9, v14;
	v22 =	vsub.f32 v22, v21;
	v18 =	vld [tilespmem:s20+$0x180];
	v24 =	vmul.f32 v23, v20;
	(pc) =	sbr.rel @!p6 .LBB2_22-.Ltmp15, $4  }
0x178: {  	s22 =	sor.u32 s23, s22;
	v17 =	vmax.f32 v8, v17;
	v27 =	vmin.f32 v7, v27;
	v29 =	vmin.f32 v6, v29;
	v23 =	vld [tilespmem:s20+$0x200];
	v32 =	vpop (erf)  }
0x179: {  	v37 =	vmin.f32 v7, v31;
	v20 =	vadd.f32 $9.999999930e-09, v22;
	v22 =	vld [tilespmem:s20+$0x210];
	s20 =	sadd.s32 $0x13980, s22;
	v25 =	vmul.f32 v32, v25  }
0x17a: {  	v38 =	vsub.f32 v27, v14;
	v39 =	vsub.f32 v29, v17;
	v28 =	vmax.f32 v8, v28;
	v14 =	vld [tilespmem:s20+$0x10]  }
0x17b: {  	p4 =	por $0x1, $0x1;
	s23 =	sadd.s32 $0xFFFFFFFF, s21;
	v29 =	vsub.f32 v30, v24;
	(erf) = vrcp.f32 v20;
	v20 =	vld [tilespmem:s22+$0x13980];
	v25 =	vmax.f32 v15, v25  }
0x17c: {  	_ = 	snop  }
0x17d: {  	v30 =	vld [tilespmem:s20+$0x90];
	v27 =	vmax.f32 v39, $0.0e+00  }
0x17e: {  	v18 =	vmin.f32 v6, v18;
	v17 =	vmax.f32 v38, $0.0e+00;
	v32 =	vld [tilespmem:s20+$0x110]  }
0x17f: {  	v33 =	vld [tilespmem:s20+$0x190];
	v17 =	vmul.f32 v27, v17;
	v18 =	vsub.f32 v18, v28;
	v22 =	vadd.f32 v22, v10  }
0x180: {  	v31 =	vsub.f32 v37, v13;
	v36 =	vld [tilespmem:s20+$0x100];
	v34 =	vadd.f32 v23, v10;
	v27 =	vpop (erf);
	(erf) = vrcp.f32 v26  }
0x181: {  	v28 =	vld [tilespmem:s20+$0x80];
	v35 =	vadd.f32 $9.999999930e-09, v29;
	v23 =	vmax.f32 v18, $0.0e+00;
	v22 =	vsub.f32 v22, v17  }
0x182: {  	p6 =	sne.s32 s23, $0x1;
	v14 =	vmax.f32 v9, v14;
	v13 =	vmax.f32 v9, v20;
	v20 =	vmax.f32 v31, $0.0e+00  }
.Ltmp16:
0x183: {  	s21 =	simm.s32 $0x500;
	s22 =	simm.s32 $0xA0;
	v18 =	vld [tilespmem:s20+$0x180];
	v31 =	vmul.f32 v27, v12;
	v27 =	vmul.f32 v23, v20;
	v20 =	vadd.f32 $9.999999930e-09, v22;
	(pc) =	sbr.rel @!p6 .LBB2_24-.Ltmp16, $4  }
0x184: {  	s24 =	sand.u32 $0x60, s22;
	s25 =	sand.u32 $0xFFFFFC00, s21;
	v30 =	vmax.f32 v8, v30;
	v32 =	vmin.f32 v7, v32;
	v33 =	vmin.f32 v6, v33;
	v22 =	vld [tilespmem:s20+$0x210];
	v63 =	vpop (erf)  }
0x185: {  	s24 =	sor.u32 s24, s25;
	v23 =	vld [tilespmem:s20+$0x200];
	v37 =	vmin.f32 v7, v36;
	(erf) = vrcp.f32 v20;
	v40 =	vmul.f32 v63, v21  }
0x186: {  	v28 =	vmax.f32 v8, v28;
	s20 =	sadd.s32 $0x13980, s24;
	v38 =	vsub.f32 v32, v14;
	v39 =	vsub.f32 v33, v30;
	v20 =	vld [tilespmem:s24+$0x13980]  }
0x187: {  	s23 =	sadd.s32 $0xFFFFFFFF, s23;
	p5 =	por $0x1, $0x1;
	v30 =	vimm.f32 $0.0e+00;
	v14 =	vld [tilespmem:s20+$0x10];
	v34 =	vsub.f32 v34, v27;
	v32 =	vmovc v16;
	v33 =	vmovc v24;
	v36 =	vmax.f32 v25, v40  }
.LBB2_25:
0x188: {  	p6 =	sne.s32 s23, $0x1;
	v40 =	vld [tilespmem:s20+$0x90];
	v18 =	vmin.f32 v6, v18;
	v38 =	vmax.f32 v38, $0.0e+00;
	v42 =	vmax.f32 v39, $0.0e+00  }
0x189: {  	v37 =	vsub.f32 v37, v13;
	v22 =	vadd.f32 v22, v10;
	v41 =	vld [tilespmem:s20+$0x110];
	v38 =	vmul.f32 v42, v38;
	v39 =	vpop (erf)  }
0x18a: {  	v43 =	vadd.f32 v23, v10;
	v18 =	vsub.f32 v18, v28;
	v42 =	vld [tilespmem:s20+$0x190];
	(erf) = vrcp.f32 v35  }
0x18b: {  	v13 =	vmax.f32 v9, v20;
	v20 =	vmax.f32 v37, $0.0e+00;
	v28 =	vld [tilespmem:s20+$0x80];
	v22 =	vsub.f32 v22, v38  }
0x18c: {  	v35 =	vadd.f32 $9.999999930e-09, v34;
	v34 =	vmul.f32 v39, v32;
	v32 =	vmovc v33;
	v33 =	vmovc v27;
	v23 =	vmax.f32 v18, $0.0e+00;
	v37 =	vld [tilespmem:s20+$0x100]  }
.Ltmp17:
0x18d: {  	s21 =	sadd.s32 $0x100, s21;
	s22 =	sadd.s32 $0x20, s22;
	v30 =	vmax.f32 v30, v31;
	v27 =	vmul.f32 v23, v20;
	v18 =	vld [tilespmem:s20+$0x180];
	v20 =	vadd.f32 $9.999999930e-09, v22;
	(pc) =	sbr.rel @p6 .LBB2_25-.Ltmp17, $4  }
0x18e: {  	v14 =	vmax.f32 v9, v14;
	s24 =	sand.u32 $0x60, s22;
	s25 =	sand.u32 $0xFFFFFC00, s21;
	v39 =	vmax.f32 v8, v40;
	v40 =	vmin.f32 v7, v41;
	v22 =	vld [tilespmem:s20+$0x210];
	v31 =	vpop (erf)  }
0x18f: {  	s24 =	sor.u32 s24, s25;
	v41 =	vmin.f32 v6, v42;
	v23 =	vld [tilespmem:s20+$0x200];
	(erf) = vrcp.f32 v20;
	v42 =	vmul.f32 v31, v17;
	v17 =	vmovc v38;
	v31 =	vmovc v34  }
0x190: {  	s20 =	sadd.s32 $0x13980, s24;
	v38 =	vsub.f32 v40, v14;
	v20 =	vld [tilespmem:s24+$0x13980];
	v28 =	vmax.f32 v8, v28;
	v39 =	vsub.f32 v41, v39  }
0x191: {  	s23 =	sadd.s32 $0xFFFFFFFF, s23;
	v34 =	vsub.f32 v43, v27;
	v14 =	vld [tilespmem:s20+$0x10];
	v37 =	vmin.f32 v7, v37;
	v36 =	vmax.f32 v36, v42  }
.Ltmp18:
0x192: {  	_ = 	snop;
	(pc) =	sbr.rel .LBB2_26-.Ltmp18, $1  }
0x193: {  	_ =	sdelay $0x3  }
.LBB2_16:
.Ltmp19:
0x194: {  	(pc) =	sbr.rel .LBB2_26-.Ltmp19, $3  }
0x195: {  	_ =	sdelay $0x1  }
0x196: {  	v30 =	vimm.f32 $0.0e+00  }
0x197: {  	v36 =	vimm.f32 $0.0e+00;
	v25 =	vimm.f32 $0.0e+00;
	v15 =	vimm.f32 $0.0e+00  }
.LBB2_18:
.Ltmp20:
0x198: {  	(pc) =	sbr.rel .LBB2_26-.Ltmp20, $3  }
0x199: {  	_ =	sdelay $0x1  }
0x19a: {  	v30 =	vimm.f32 $0.0e+00  }
0x19b: {  	v27 =	vmovc v12;
	v36 =	vimm.f32 $0.0e+00;
	v25 =	vimm.f32 $0.0e+00;
	v15 =	vimm.f32 $0.0e+00  }
.LBB2_20:
.Ltmp21:
0x19c: {  	(pc) =	sbr.rel .LBB2_26-.Ltmp21, $3  }
0x19d: {  	_ =	sdelay $0x1  }
0x19e: {  	v27 =	vmov v16;
	v35 =	vmov v19  }
0x19f: {  	v33 =	vmovc v12;
	v30 =	vimm.f32 $0.0e+00;
	v17 =	vmovc v25;
	v36 =	vmov v15;
	v25 =	vimm.f32 $0.0e+00  }
.LBB2_22:
.Ltmp22:
0x1a0: {  	(pc) =	sbr.rel .LBB2_26-.Ltmp22, $3  }
0x1a1: {  	_ =	sdelay $0x1  }
0x1a2: {  	v35 =	vmov v26;
	v32 =	vmov v12;
	v33 =	vmov v16  }
0x1a3: {  	v27 =	vmovc v24;
	v30 =	vimm.f32 $0.0e+00;
	v17 =	vmovc v21;
	v36 =	vmov v25;
	v34 =	vmov v29  }
.LBB2_24:
.Ltmp23:
0x1a4: {  	(pc) =	sbr.rel .LBB2_26-.Ltmp23, $2  }
0x1a5: {  	_ =	sdelay $0x2  }
0x1a6: {  	v32 =	vmov v16;
	v33 =	vmov v24;
	v30 =	vimm.f32 $0.0e+00  }
.LBB2_31:
0x1a7: {  	_ =	sfence.sel $0x180000  }
0x1a8: {  	[bflag:$0x0] =	sbarrier.arrive $0xFFFF  }
0x1a9: {  	p0 =	sne.s32 s0, $0x0;
	_ =	strace $0x90000047  }
0x1aa: {  	s0 =	sadd.s32 @!p0 $0x100000, s1;
	[bflag:$0x2] =	sbarrier.arrive $0xFFFF  }
0x1ab: {  	[sflag:s0] =	ssyncadd.tile.s32 @!p0 $0x1;
	_ =	shalt  }
.Lfunc_end2:
_tile_overlayer_lowered:
.L_overlay_start_2:
0x1ac: {  	(tag) =	ssettag $0x2  }
0x1ad: {  	s0 =	rddreg [dreg:$0x0];
	s2 =	stileid.u32  }
0x1ae: {  	s1 =	rddreg [dreg:$0x1];
	p0 =	sne.s32 s2, $0x0  }
0x1af: {  	s3 =	rddreg [dreg:$0x2];
	[bflag:$0x3] =	sbarrier.arrive $0xFFFF;
	s2 =	simm.s32 @!p0 $0x1C01  }
0x1b0: {  	[timem:s3], [sflag:s2] =	dma.local @!p0 [hbm:s0], s1  }
0x1b1: {  	s0 =	simm.s32 @!p0 $0x1  }
0x1b2: {  	_ =	swait.ge @!p0 [sflag:s0], s1  }
0x1b3: {  	s1 =	ssub.s32 @!p0 $0x0, s1;
	[sflag:s0] =	ssyncset.done @!p0 $0x0  }
0x1b4: {  	[sflag:s0] =	ssyncadd.s32 @!p0 s1  }
0x1b5: {  	[bflag:$0x3] =	sbarrier.arrive $0xFFFF  }
0x1b6: {  	_ =	shalt  }

</sc_bundles>
